<compile_context>
chip_gen: v7x
topology: tpu7x:2x2x1
jax: 0.10.2.dev20260603
libtpu: 0.0.44.dev20260713+nightly
codegen_flags: <defaults>
</compile_context>

<pallas_src>
import functools

import jax
import jax.numpy as jnp
from jax import lax
from jax.experimental import pallas as pl
from jax.experimental.pallas import tpu as pltpu
from jax.experimental.pallas import tpu_sc as plsc

_F32 = jnp.float32
_HIGHEST = lax.Precision.HIGHEST



def _make_halos(x, th):
    b, h, w, c = x.shape
    t = h // th
    zrow = jnp.zeros((b, 1, w, c), x.dtype)
    top = jnp.concatenate([zrow, x[:, th - 1::th][:, : t - 1]], axis=1)
    bot = jnp.concatenate([x[:, th::th], zrow], axis=1)
    return (top.reshape(b, t, 1, w, c), bot.reshape(b, t, 1, w, c))


def _conv3x3(x, w_oihw, bias, th, act, im2col, out_dtype=_F32,
             prec=lax.Precision.DEFAULT):
    b, h, wd, cin = x.shape
    cout = w_oihw.shape[0]
    t = h // th
    x = x.astype(jnp.bfloat16)
    top, bot = _make_halos(x, th)
    w_hwio = jnp.transpose(w_oihw, (2, 3, 1, 0)).astype(jnp.bfloat16)
    if im2col:
        wk = w_hwio.reshape(9 * cin, cout)
    else:
        wk = w_hwio.reshape(9, cin, cout)
    b2 = bias.reshape(1, cout)

    def body(x_ref, top_ref, bot_ref, w_ref, b_ref, o_ref):
        win = jnp.concatenate([top_ref[0, 0], x_ref[0], bot_ref[0, 0]], axis=0)
        zc = jnp.zeros((th + 2, 1, cin), win.dtype)
        win = jnp.concatenate([zc, win, zc], axis=1)
        if im2col:
            cols = jnp.concatenate(
                [win[dy:dy + th, dx:dx + wd, :]
                 for dy in range(3) for dx in range(3)], axis=-1)
            res = jnp.dot(cols.reshape(th * wd, 9 * cin), w_ref[...],
                          precision=prec, preferred_element_type=_F32)
        else:
            res = jnp.zeros((th * wd, cout), _F32)
            for dy in range(3):
                for dx in range(3):
                    sl = win[dy:dy + th, dx:dx + wd, :].reshape(th * wd, cin)
                    res = res + jnp.dot(sl, w_ref[dy * 3 + dx],
                                        precision=prec,
                                        preferred_element_type=_F32)
        res = act(res + b_ref[0])
        o_ref[0] = res.reshape(th, wd, cout).astype(out_dtype)

    return pl.pallas_call(
        body,
        grid=(b, t),
        in_specs=[
            pl.BlockSpec((1, th, wd, cin), lambda i, j: (i, j, 0, 0)),
            pl.BlockSpec((1, 1, 1, wd, cin), lambda i, j: (i, j, 0, 0, 0)),
            pl.BlockSpec((1, 1, 1, wd, cin), lambda i, j: (i, j, 0, 0, 0)),
            pl.BlockSpec(wk.shape, lambda i, j: (0,) * wk.ndim),
            pl.BlockSpec((1, cout), lambda i, j: (0, 0)),
        ],
        out_specs=pl.BlockSpec((1, th, wd, cout), lambda i, j: (i, j, 0, 0)),
        out_shape=jax.ShapeDtypeStruct((b, h, wd, cout), out_dtype),
        compiler_params=pltpu.CompilerParams(
            dimension_semantics=("arbitrary", "arbitrary"),
            vmem_limit_bytes=100 * 1024 * 1024,
        ),
    )(x, top, bot, wk, b2)



_PB = 2048


def _vq_argmin(enc2d, codebook):
    n, d = enc2d.shape
    k = codebook.shape[0]
    nblk = n // _PB

    def body(x_ref, cb_ref, idx_ref, loss_ref):
        x = x_ref[...]
        cb = cb_ref[...]
        toks = jnp.swapaxes(x.reshape(_PB // 64, 64, 64), 1, 2).reshape(_PB, 64)
        bf = jnp.bfloat16
        dims = (((1,), (1,)), ((), ()))
        t_hi = toks.astype(bf)
        t_lo = (toks - t_hi.astype(_F32)).astype(bf)
        c_hi = cb.astype(bf)
        c_lo = (cb - c_hi.astype(_F32)).astype(bf)
        mm = (lax.dot_general(t_hi, c_hi, dims, preferred_element_type=_F32)
              + (lax.dot_general(t_hi, c_lo, dims, preferred_element_type=_F32)
                 + lax.dot_general(t_lo, c_hi, dims,
                                   preferred_element_type=_F32)))
        xn = jnp.sum(toks * toks, axis=1)[:, None]
        cn = jnp.sum(cb * cb, axis=1)[None, :]
        dist = xn + cn - 2.0 * mm
        m = jnp.min(dist, axis=1, keepdims=True)
        iota = lax.broadcasted_iota(jnp.int32, (_PB, k), 1)
        idx = jnp.min(jnp.where(dist == m, iota, k), axis=1)
        idx_ref[0, 0] = idx

        @pl.when(pl.program_id(0) == 0)
        def _():
            loss_ref[...] = jnp.zeros((1, 1), _F32)

        loss_ref[...] += jnp.sum(m).reshape(1, 1)

    return pl.pallas_call(
        body,
        grid=(nblk,),
        in_specs=[
            pl.BlockSpec((_PB, d), lambda i: (i, 0)),
            pl.BlockSpec((k, d), lambda i: (0, 0)),
        ],
        out_specs=[
            pl.BlockSpec((1, 1, _PB), lambda i: (i, 0, 0)),
            pl.BlockSpec((1, 1), lambda i: (0, 0)),
        ],
        out_shape=[
            jax.ShapeDtypeStruct((nblk, 1, _PB), jnp.int32),
            jax.ShapeDtypeStruct((1, 1), _F32),
        ],
        compiler_params=pltpu.CompilerParams(
            dimension_semantics=("arbitrary",),
            vmem_limit_bytes=100 * 1024 * 1024,
        ),
    )(enc2d, codebook)



_NW = 32
_CHT = 392
_NCHK = 16


def _sc_gather(codebook, idx_flat):
    n = idx_flat.shape[0]
    d = codebook.shape[1]
    kk = codebook.shape[0]
    per_w = n // _NW
    mesh = plsc.VectorSubcoreMesh(core_axis_name="c", subcore_axis_name="s")

    @functools.partial(
        pl.kernel, mesh=mesh,
        compiler_params=pltpu.CompilerParams(use_tc_tiling_on_sc=False),
        out_type=jax.ShapeDtypeStruct((n * d,), jnp.bfloat16),
        scratch_types=[
            pltpu.VMEM((kk * d,), jnp.bfloat16),
            pltpu.VMEM((per_w + 8,), jnp.int32),
            pltpu.VMEM((2, _CHT * d), jnp.bfloat16),
            pltpu.SemaphoreType.DMA,
            pltpu.SemaphoreType.DMA,
            pltpu.SemaphoreType.DMA,
        ],
    )
    def k(cb_hbm, idx_hbm, out_hbm, cb_v, idx_v, stg, lsem, wsem0, wsem1):
        wid = lax.axis_index("s") * 2 + lax.axis_index("c")
        base = wid * per_w
        pltpu.async_copy(cb_hbm, cb_v, lsem)
        pltpu.async_copy(idx_hbm.at[pl.ds(base, per_w)],
                         idx_v.at[pl.ds(0, per_w)], lsem).wait()
        pltpu.make_async_copy(cb_hbm, cb_v, lsem).wait()

        def pair(p, carry):
            for par in range(2):
                wsem = (wsem0, wsem1)[par]
                c = 2 * p + par

                @pl.when(p > 0)
                def _():
                    pltpu.make_async_copy(
                        stg.at[par], out_hbm.at[pl.ds(0, _CHT * d)],
                        wsem).wait()

                def token8(i8, carry2):
                    vec = idx_v[pl.ds(c * _CHT + i8 * 8, 16)]
                    for l in range(8):
                        s = vec[l]
                        t = i8 * 8 + l
                        for q in range(2):
                            stg[par, pl.ds(t * d + q * 32, 32)] = (
                                cb_v[pl.ds(s * d + q * 32, 32)])
                    return carry2

                lax.fori_loop(0, _CHT // 8, token8, 0)
                pltpu.async_copy(
                    stg.at[par],
                    out_hbm.at[pl.ds((base + c * _CHT) * d, _CHT * d)], wsem)
            return carry

        lax.fori_loop(0, _NCHK // 2, pair, 0)
        for par in range(2):
            wsem = (wsem0, wsem1)[par]
            pltpu.make_async_copy(stg.at[par],
                                  out_hbm.at[pl.ds(0, _CHT * d)], wsem).wait()

    return k(codebook.astype(jnp.bfloat16).reshape(-1), idx_flat).reshape(n, d)



def kernel(x, enc_w1, enc_b1, enc_w2, enc_b2, codebook,
           dec_w1, dec_b1, dec_w2, dec_b2):
    b, _, h, w = x.shape
    d = codebook.shape[1]
    relu = lambda v: jnp.maximum(v, 0.0)

    x_nhwc = jnp.transpose(x, (0, 2, 3, 1))
    h1 = _conv3x3(x_nhwc, enc_w1, enc_b1, 16, relu, im2col=True,
                  out_dtype=jnp.bfloat16)
    enc = _conv3x3(h1, enc_w2, enc_b2, 8, relu, im2col=False)

    enc2d = enc.reshape(b * h * w, d)
    idx_blocks, loss_sum = _vq_argmin(enc2d, codebook)
    n_tok = b * h * w
    groups = h * w // d
    idx_flat = (idx_blocks.reshape(b, groups, d)
                .transpose(0, 2, 1).reshape(n_tok))

    quant = _sc_gather(codebook, idx_flat)
    q_nhwc = jnp.transpose(quant.reshape(b, d, h, w), (0, 2, 3, 1))

    d1 = _conv3x3(q_nhwc, dec_w1, dec_b1, 8, relu, im2col=False,
                  out_dtype=jnp.bfloat16)
    out_nhwc = _conv3x3(d1, dec_w2, dec_b2, 8, jax.nn.sigmoid, im2col=False)
    reconstructed = jnp.transpose(out_nhwc, (0, 3, 1, 2))

    loss = loss_sum[0, 0] * (1.25 / (n_tok * d))
    return (reconstructed, loss)

# --- scband reference (transcript-rebuilt; emitter-appended) ---
"""Pipeline reference for scband-vqvae-3083786519067 (READ-ONLY COPY).

The authoritative reference and input builder live on the scoring server;
editing this copy changes nothing except your own understanding.
"""

import jax, jax.numpy as jnp
import numpy as np

B, C, H, W = 4, 3, 224, 224
HID = 192
D = 64
K = 1024


def _conv(x, w, b):
    y = jax.lax.conv_general_dilated(
        x, w, window_strides=(1, 1), padding='SAME',
        dimension_numbers=('NCHW', 'OIHW', 'NCHW'))
    return y + b[None, :, None, None]


def setup_inputs(seed: int = 0) -> dict:
    key = jax.random.key(seed)
    ks = jax.random.split(key, 8)

    def he(k, shape, fan_in):
        return jax.random.normal(k, shape, dtype=jnp.float32) * np.float32(np.sqrt(2.0 / fan_in))

    return {
        'x': jax.random.uniform(ks[0], (B, C, H, W), dtype=jnp.float32),
        'enc_w1': he(ks[1], (HID, C, 3, 3), C * 9),
        'enc_b1': jnp.zeros((HID,), jnp.float32),
        'enc_w2': he(ks[2], (D, HID, 3, 3), HID * 9),
        'enc_b2': jnp.zeros((D,), jnp.float32),
        'codebook': jax.random.uniform(ks[3], (K, D), dtype=jnp.float32, minval=-1.0 / K, maxval=1.0 / K),
        'dec_w1': he(ks[4], (HID, D, 3, 3), D * 9),
        'dec_b1': jnp.zeros((HID,), jnp.float32),
        'dec_w2': he(ks[5], (C, HID, 3, 3), HID * 9),
        'dec_b2': jnp.zeros((C,), jnp.float32),
    }


def reference(x, enc_w1, enc_b1, enc_w2, enc_b2, codebook, dec_w1, dec_b1, dec_w2, dec_b2):
    # encoder
    h = jax.nn.relu(_conv(x, enc_w1, enc_b1))
    enc = jax.nn.relu(_conv(h, enc_w2, enc_b2))
    # vector quantizer (faithful to torch: view(-1, D) on NCHW memory layout)
    x_flat = enc.reshape(-1, D)
    distances = (jnp.sum(x_flat ** 2, axis=1, keepdims=True)
                 + jnp.sum(codebook ** 2, axis=1)
                 - 2.0 * (x_flat @ codebook.T))
    encoding_indices = jnp.argmin(distances, axis=1)
    quantized = jnp.take(codebook, encoding_indices, axis=0).reshape(enc.shape)
    loss = (jnp.mean((jax.lax.stop_gradient(quantized) - enc) ** 2)
            + 0.25 * jnp.mean((quantized - jax.lax.stop_gradient(enc)) ** 2))
    quantized_st = enc + jax.lax.stop_gradient(quantized - enc)
    # decoder
    d1 = jax.nn.relu(_conv(quantized_st, dec_w1, dec_b1))
    reconstructed = jax.nn.sigmoid(_conv(d1, dec_w2, dec_b2))
    return (reconstructed, loss)

if __name__ == "__main__":
    import jax
    _d = setup_inputs()
    print(jax.jit(kernel)(*tuple(_d.values())))

</pallas_src>

<mosaic_0001>
#map = affine_map<(d0, d1) -> (0)>
module attributes {stable_mosaic.version = 14 : i64} {
  func.func @k(%arg0: i32, %arg1: i32, %arg2: memref<65536xbf16, #tpu.memory_space<hbm>>, %arg3: memref<200704xi32, #tpu.memory_space<hbm>>, %arg4: memref<12845056xbf16, #tpu.memory_space<hbm>>, %arg5: memref<65536xbf16, #tpu.memory_space<vmem>>, %arg6: memref<6280xi32, #tpu.memory_space<vmem>>, %arg7: memref<2x25088xbf16, #tpu.memory_space<vmem>>, %arg8: memref<!tpu.dma_semaphore, #tpu.memory_space<semaphore_mem>>, %arg9: memref<!tpu.dma_semaphore, #tpu.memory_space<semaphore_mem>>, %arg10: memref<!tpu.dma_semaphore, #tpu.memory_space<semaphore_mem>>) attributes {dimension_semantics = [#tpu.dimension_semantics<core_parallel>, #tpu.dimension_semantics<subcore_parallel>], iteration_bounds = array<i64: 2, 16>, scalar_prefetch = 0 : i64, scratch_operands = 6 : i64, tpu.core_type = #tpu.core_type<sc_vector_subcore>, window_params = [{transform_indices = #map}, {transform_indices = #map}, {transform_indices = #map}]} {
    %mul3A = arith.constant 2 : i32
    %mul3A_0 = arith.muli %arg1, %mul3A : i32
    %add3A = arith.addi %mul3A_0, %arg0 : i32
    %mul3A_1 = arith.constant 6272 : i32
    %mul3A_2 = arith.muli %add3A, %mul3A_1 : i32
    tpu.enqueue_dma source(%arg2 : memref<65536xbf16, #tpu.memory_space<hbm>>) target(%arg5 : memref<65536xbf16, #tpu.memory_space<vmem>>) target_semaphore(%arg8 : memref<!tpu.dma_semaphore, #tpu.memory_space<semaphore_mem>>)
    %dma_start3A = arith.constant 0 : i32
    %dma_start3A_3 = tpu.memref_slice %arg6[%dma_start3A] : memref<6280xi32, #tpu.memory_space<vmem>> -> memref<6272xi32, #tpu.memory_space<vmem>>
    %dma_start3A_4 = tpu.memref_slice %arg3[%mul3A_2] : memref<200704xi32, #tpu.memory_space<hbm>> -> memref<6272xi32, #tpu.memory_space<hbm>>
    %dma_start3A_5 = arith.constant 0 : i32
    %dma_start3A_6 = tpu.memref_slice %arg6[%dma_start3A_5] : memref<6280xi32, #tpu.memory_space<vmem>> -> memref<6272xi32, #tpu.memory_space<vmem>>
    %dma_start3A_7 = tpu.memref_slice %arg3[%mul3A_2] : memref<200704xi32, #tpu.memory_space<hbm>> -> memref<6272xi32, #tpu.memory_space<hbm>>
    tpu.enqueue_dma source(%dma_start3A_7 : memref<6272xi32, #tpu.memory_space<hbm>>) target(%dma_start3A_6 : memref<6272xi32, #tpu.memory_space<vmem>>) target_semaphore(%arg8 : memref<!tpu.dma_semaphore, #tpu.memory_space<semaphore_mem>>)
    %dma_wait3A = arith.constant 0 : i32
    %dma_wait3A_8 = tpu.memref_slice %arg6[%dma_wait3A] : memref<6280xi32, #tpu.memory_space<vmem>> -> memref<6272xi32, #tpu.memory_space<vmem>>
    %dma_wait3A_9 = tpu.memref_slice %arg3[%mul3A_2] : memref<200704xi32, #tpu.memory_space<hbm>> -> memref<6272xi32, #tpu.memory_space<hbm>>
    %dma_wait3A_10 = arith.constant 0 : i32
    %dma_wait3A_11 = tpu.memref_slice %arg6[%dma_wait3A_10] : memref<6280xi32, #tpu.memory_space<vmem>> -> memref<6272xi32, #tpu.memory_space<vmem>>
    %dma_wait3A_12 = tpu.memref_slice %arg3[%mul3A_2] : memref<200704xi32, #tpu.memory_space<hbm>> -> memref<6272xi32, #tpu.memory_space<hbm>>
    tpu.wait_dma2 semaphore(%arg8 : memref<!tpu.dma_semaphore, #tpu.memory_space<semaphore_mem>>) src(%dma_wait3A_12 : memref<6272xi32, #tpu.memory_space<hbm>>) dst(%dma_wait3A_11 : memref<6272xi32, #tpu.memory_space<vmem>>)
    tpu.wait_dma2 semaphore(%arg8 : memref<!tpu.dma_semaphore, #tpu.memory_space<semaphore_mem>>) src(%arg2 : memref<65536xbf16, #tpu.memory_space<hbm>>) dst(%arg5 : memref<65536xbf16, #tpu.memory_space<vmem>>)
    %scan3A = arith.constant 0 : i32
    %scan3A_13 = arith.constant 0 : i32
    %scan3A_14 = arith.constant 8 : i32
    %scan3A_15 = arith.addi %scan3A_13, %scan3A_14 : i32
    %scan3A_16 = arith.constant 1 : i32
    scf.for %scan3A_40 = %scan3A_13 to %scan3A_15 step %scan3A_16  : i32 {
      %mul3A_41 = arith.constant 2 : i32
      %mul3A_42 = arith.muli %mul3A_41, %scan3A_40 : i32
      %add3A_43 = arith.constant 0 : i32
      %add3A_44 = arith.addi %mul3A_42, %add3A_43 : i32
      %gt3A = arith.constant 0 : i32
      %gt3A_45 = arith.cmpi sgt, %scan3A_40, %gt3A : i32
      %convert_element_type3A = arith.extui %gt3A_45 : i1 to i32
      %cond3A = arith.constant 0 : i32
      %cond3A_46 = arith.cmpi ne, %convert_element_type3A, %cond3A : i32
      scf.if %cond3A_46 {
        %dma_wait3A_96 = arith.constant 0 : i32
        %dma_wait3A_97 = arith.constant 0 : i32
        %dma_wait3A_98 = tpu.memref_slice %arg7[%dma_wait3A_96, %dma_wait3A_97] : memref<2x25088xbf16, #tpu.memory_space<vmem>> -> memref<1x25088xbf16, #tpu.memory_space<vmem>>
        %dma_wait3A_99 = tpu.memref_squeeze %dma_wait3A_98 : memref<1x25088xbf16, #tpu.memory_space<vmem>> -> memref<25088xbf16, #tpu.memory_space<vmem>>
        %dma_wait3A_100 = arith.constant 0 : i32
        %dma_wait3A_101 = tpu.memref_slice %arg4[%dma_wait3A_100] : memref<12845056xbf16, #tpu.memory_space<hbm>> -> memref<25088xbf16, #tpu.memory_space<hbm>>
        %dma_wait3A_102 = arith.constant 0 : i32
        %dma_wait3A_103 = tpu.memref_slice %arg4[%dma_wait3A_102] : memref<12845056xbf16, #tpu.memory_space<hbm>> -> memref<25088xbf16, #tpu.memory_space<hbm>>
        %dma_wait3A_104 = arith.constant 0 : i32
        %dma_wait3A_105 = tpu.memref_slice %arg7[%dma_wait3A_96, %dma_wait3A_104] : memref<2x25088xbf16, #tpu.memory_space<vmem>> -> memref<1x25088xbf16, #tpu.memory_space<vmem>>
        %dma_wait3A_106 = tpu.memref_squeeze %dma_wait3A_105 : memref<1x25088xbf16, #tpu.memory_space<vmem>> -> memref<25088xbf16, #tpu.memory_space<vmem>>
        tpu.wait_dma2 semaphore(%arg9 : memref<!tpu.dma_semaphore, #tpu.memory_space<semaphore_mem>>) src(%dma_wait3A_106 : memref<25088xbf16, #tpu.memory_space<vmem>>) dst(%dma_wait3A_103 : memref<25088xbf16, #tpu.memory_space<hbm>>)
      } else {
      }
      %scan3A_47 = arith.constant 0 : i32
      %scan3A_48 = arith.constant 0 : i32
      %scan3A_49 = arith.constant 49 : i32
      %scan3A_50 = arith.addi %scan3A_48, %scan3A_49 : i32
      %scan3A_51 = arith.constant 1 : i32
      scf.for %scan3A_96 = %scan3A_48 to %scan3A_50 step %scan3A_51  : i32 {
        %mul3A_97 = arith.constant 392 : i32
        %mul3A_98 = arith.muli %add3A_44, %mul3A_97 : i32
        %mul3A_99 = arith.constant 8 : i32
        %mul3A_100 = arith.muli %scan3A_96, %mul3A_99 : i32
        %add3A_101 = arith.addi %mul3A_98, %mul3A_100 : i32
        %get3A = arith.index_cast %add3A_101 : i32 to index
        %get3A_102 = tpu.vector_load %arg6[%get3A] {strides = array<i32>} : memref<6280xi32, #tpu.memory_space<vmem>>, vector<16xi32>,
        %get3A_103 = vector.shape_cast %get3A_102 : vector<16xi32> to vector<16xi32>
        %slice3A = vector.extract_strided_slice %get3A_103 {offsets = [0], sizes = [1], strides = [1]} : vector<16xi32> to vector<1xi32>
        %squeeze3A = vector.extract %slice3A[0] : i32 from vector<1xi32>
        %mul3A_104 = arith.constant 8 : i32
        %mul3A_105 = arith.muli %scan3A_96, %mul3A_104 : i32
        %add3A_106 = arith.constant 0 : i32
        %add3A_107 = arith.addi %mul3A_105, %add3A_106 : i32
        %mul3A_108 = arith.constant 64 : i32
        %mul3A_109 = arith.muli %squeeze3A, %mul3A_108 : i32
        %add3A_110 = arith.constant 0 : i32
        %add3A_111 = arith.addi %mul3A_109, %add3A_110 : i32
        %get3A_112 = arith.index_cast %add3A_111 : i32 to index
        %get3A_113 = tpu.vector_load %arg5[%get3A_112] {strides = array<i32>} : memref<65536xbf16, #tpu.memory_space<vmem>>, vector<32xbf16>,
        %get3A_114 = vector.shape_cast %get3A_113 : vector<32xbf16> to vector<32xbf16>
        %mul3A_115 = arith.constant 64 : i32
        %mul3A_116 = arith.muli %add3A_107, %mul3A_115 : i32
        %add3A_117 = arith.constant 0 : i32
        %add3A_118 = arith.addi %mul3A_116, %add3A_117 : i32
        %swap3A = arith.constant 0 : i32
        %swap3A_119 = arith.index_cast %swap3A : i32 to index
        %swap3A_120 = arith.index_cast %add3A_118 : i32 to index
        %swap3A_121 = tpu.vector_load %arg7[%swap3A_119, %swap3A_120] {strides = array<i32>} : memref<2x25088xbf16, #tpu.memory_space<vmem>>, vector<1x32xbf16>,
        %swap3A_122 = vector.shape_cast %swap3A_121 : vector<1x32xbf16> to vector<32xbf16>
        %swap3A_123 = vector.shape_cast %get3A_114 : vector<32xbf16> to vector<1x32xbf16>
        tpu.vector_store %arg7[%swap3A_119, %swap3A_120], %swap3A_123 {strides = array<i32>} : memref<2x25088xbf16, #tpu.memory_space<vmem>>, vector<1x32xbf16>,
        %mul3A_124 = arith.constant 64 : i32
        %mul3A_125 = arith.muli %squeeze3A, %mul3A_124 : i32
        %add3A_126 = arith.constant 32 : i32
        %add3A_127 = arith.addi %mul3A_125, %add3A_126 : i32
        %get3A_128 = arith.index_cast %add3A_127 : i32 to index
        %get3A_129 = tpu.vector_load %arg5[%get3A_128] {strides = array<i32>} : memref<65536xbf16, #tpu.memory_space<vmem>>, vector<32xbf16>,
        %get3A_130 = vector.shape_cast %get3A_129 : vector<32xbf16> to vector<32xbf16>
        %mul3A_131 = arith.constant 64 : i32
        %mul3A_132 = arith.muli %add3A_107, %mul3A_131 : i32
        %add3A_133 = arith.constant 32 : i32
        %add3A_134 = arith.addi %mul3A_132, %add3A_133 : i32
        %swap3A_135 = arith.constant 0 : i32
        %swap3A_136 = arith.index_cast %swap3A_135 : i32 to index
        %swap3A_137 = arith.index_cast %add3A_134 : i32 to index
        %swap3A_138 = tpu.vector_load %arg7[%swap3A_136, %swap3A_137] {strides = array<i32>} : memref<2x25088xbf16, #tpu.memory_space<vmem>>, vector<1x32xbf16>,
        %swap3A_139 = vector.shape_cast %swap3A_138 : vector<1x32xbf16> to vector<32xbf16>
        %swap3A_140 = vector.shape_cast %get3A_130 : vector<32xbf16> to vector<1x32xbf16>
        tpu.vector_store %arg7[%swap3A_136, %swap3A_137], %swap3A_140 {strides = array<i32>} : memref<2x25088xbf16, #tpu.memory_space<vmem>>, vector<1x32xbf16>,
        %slice3A_141 = vector.extract_strided_slice %get3A_103 {offsets = [1], sizes = [1], strides = [1]} : vector<16xi32> to vector<1xi32>
        %squeeze3A_142 = vector.extract %slice3A_141[0] : i32 from vector<1xi32>
        %mul3A_143 = arith.constant 8 : i32
        %mul3A_144 = arith.muli %scan3A_96, %mul3A_143 : i32
        %add3A_145 = arith.constant 1 : i32
        %add3A_146 = arith.addi %mul3A_144, %add3A_145 : i32
        %mul3A_147 = arith.constant 64 : i32
        %mul3A_148 = arith.muli %squeeze3A_142, %mul3A_147 : i32
        %add3A_149 = arith.constant 0 : i32
        %add3A_150 = arith.addi %mul3A_148, %add3A_149 : i32
        %get3A_151 = arith.index_cast %add3A_150 : i32 to index
        %get3A_152 = tpu.vector_load %arg5[%get3A_151] {strides = array<i32>} : memref<65536xbf16, #tpu.memory_space<vmem>>, vector<32xbf16>,
        %get3A_153 = vector.shape_cast %get3A_152 : vector<32xbf16> to vector<32xbf16>
        %mul3A_154 = arith.constant 64 : i32
        %mul3A_155 = arith.muli %add3A_146, %mul3A_154 : i32
        %add3A_156 = arith.constant 0 : i32
        %add3A_157 = arith.addi %mul3A_155, %add3A_156 : i32
        %swap3A_158 = arith.constant 0 : i32
        %swap3A_159 = arith.index_cast %swap3A_158 : i32 to index
        %swap3A_160 = arith.index_cast %add3A_157 : i32 to index
        %swap3A_161 = tpu.vector_load %arg7[%swap3A_159, %swap3A_160] {strides = array<i32>} : memref<2x25088xbf16, #tpu.memory_space<vmem>>, vector<1x32xbf16>,
        %swap3A_162 = vector.shape_cast %swap3A_161 : vector<1x32xbf16> to vector<32xbf16>
        %swap3A_163 = vector.shape_cast %get3A_153 : vector<32xbf16> to vector<1x32xbf16>
        tpu.vector_store %arg7[%swap3A_159, %swap3A_160], %swap3A_163 {strides = array<i32>} : memref<2x25088xbf16, #tpu.memory_space<vmem>>, vector<1x32xbf16>,
        %mul3A_164 = arith.constant 64 : i32
        %mul3A_165 = arith.muli %squeeze3A_142, %mul3A_164 : i32
        %add3A_166 = arith.constant 32 : i32
        %add3A_167 = arith.addi %mul3A_165, %add3A_166 : i32
        %get3A_168 = arith.index_cast %add3A_167 : i32 to index
        %get3A_169 = tpu.vector_load %arg5[%get3A_168] {strides = array<i32>} : memref<65536xbf16, #tpu.memory_space<vmem>>, vector<32xbf16>,
        %get3A_170 = vector.shape_cast %get3A_169 : vector<32xbf16> to vector<32xbf16>
        %mul3A_171 = arith.constant 64 : i32
        %mul3A_172 = arith.muli %add3A_146, %mul3A_171 : i32
        %add3A_173 = arith.constant 32 : i32
        %add3A_174 = arith.addi %mul3A_172, %add3A_173 : i32
        %swap3A_175 = arith.constant 0 : i32
        %swap3A_176 = arith.index_cast %swap3A_175 : i32 to index
        %swap3A_177 = arith.index_cast %add3A_174 : i32 to index
        %swap3A_178 = tpu.vector_load %arg7[%swap3A_176, %swap3A_177] {strides = array<i32>} : memref<2x25088xbf16, #tpu.memory_space<vmem>>, vector<1x32xbf16>,
        %swap3A_179 = vector.shape_cast %swap3A_178 : vector<1x32xbf16> to vector<32xbf16>
        %swap3A_180 = vector.shape_cast %get3A_170 : vector<32xbf16> to vector<1x32xbf16>
        tpu.vector_store %arg7[%swap3A_176, %swap3A_177], %swap3A_180 {strides = array<i32>} : memref<2x25088xbf16, #tpu.memory_space<vmem>>, vector<1x32xbf16>,
        %slice3A_181 = vector.extract_strided_slice %get3A_103 {offsets = [2], sizes = [1], strides = [1]} : vector<16xi32> to vector<1xi32>
        %squeeze3A_182 = vector.extract %slice3A_181[0] : i32 from vector<1xi32>
        %mul3A_183 = arith.constant 8 : i32
        %mul3A_184 = arith.muli %scan3A_96, %mul3A_183 : i32
        %add3A_185 = arith.constant 2 : i32
        %add3A_186 = arith.addi %mul3A_184, %add3A_185 : i32
        %mul3A_187 = arith.constant 64 : i32
        %mul3A_188 = arith.muli %squeeze3A_182, %mul3A_187 : i32
        %add3A_189 = arith.constant 0 : i32
        %add3A_190 = arith.addi %mul3A_188, %add3A_189 : i32
        %get3A_191 = arith.index_cast %add3A_190 : i32 to index
        %get3A_192 = tpu.vector_load %arg5[%get3A_191] {strides = array<i32>} : memref<65536xbf16, #tpu.memory_space<vmem>>, vector<32xbf16>,
        %get3A_193 = vector.shape_cast %get3A_192 : vector<32xbf16> to vector<32xbf16>
        %mul3A_194 = arith.constant 64 : i32
        %mul3A_195 = arith.muli %add3A_186, %mul3A_194 : i32
        %add3A_196 = arith.constant 0 : i32
        %add3A_197 = arith.addi %mul3A_195, %add3A_196 : i32
        %swap3A_198 = arith.constant 0 : i32
        %swap3A_199 = arith.index_cast %swap3A_198 : i32 to index
        %swap3A_200 = arith.index_cast %add3A_197 : i32 to index
        %swap3A_201 = tpu.vector_load %arg7[%swap3A_199, %swap3A_200] {strides = array<i32>} : memref<2x25088xbf16, #tpu.memory_space<vmem>>, vector<1x32xbf16>,
        %swap3A_202 = vector.shape_cast %swap3A_201 : vector<1x32xbf16> to vector<32xbf16>
        %swap3A_203 = vector.shape_cast %get3A_193 : vector<32xbf16> to vector<1x32xbf16>
        tpu.vector_store %arg7[%swap3A_199, %swap3A_200], %swap3A_203 {strides = array<i32>} : memref<2x25088xbf16, #tpu.memory_space<vmem>>, vector<1x32xbf16>,
        %mul3A_204 = arith.constant 64 : i32
        %mul3A_205 = arith.muli %squeeze3A_182, %mul3A_204 : i32
        %add3A_206 = arith.constant 32 : i32
        %add3A_207 = arith.addi %mul3A_205, %add3A_206 : i32
        %get3A_208 = arith.index_cast %add3A_207 : i32 to index
        %get3A_209 = tpu.vector_load %arg5[%get3A_208] {strides = array<i32>} : memref<65536xbf16, #tpu.memory_space<vmem>>, vector<32xbf16>,
        %get3A_210 = vector.shape_cast %get3A_209 : vector<32xbf16> to vector<32xbf16>
        %mul3A_211 = arith.constant 64 : i32
        %mul3A_212 = arith.muli %add3A_186, %mul3A_211 : i32
        %add3A_213 = arith.constant 32 : i32
        %add3A_214 = arith.addi %mul3A_212, %add3A_213 : i32
        %swap3A_215 = arith.constant 0 : i32
        %swap3A_216 = arith.index_cast %swap3A_215 : i32 to index
        %swap3A_217 = arith.index_cast %add3A_214 : i32 to index
        %swap3A_218 = tpu.vector_load %arg7[%swap3A_216, %swap3A_217] {strides = array<i32>} : memref<2x25088xbf16, #tpu.memory_space<vmem>>, vector<1x32xbf16>,
        %swap3A_219 = vector.shape_cast %swap3A_218 : vector<1x32xbf16> to vector<32xbf16>
        %swap3A_220 = vector.shape_cast %get3A_210 : vector<32xbf16> to vector<1x32xbf16>
        tpu.vector_store %arg7[%swap3A_216, %swap3A_217], %swap3A_220 {strides = array<i32>} : memref<2x25088xbf16, #tpu.memory_space<vmem>>, vector<1x32xbf16>,
        %slice3A_221 = vector.extract_strided_slice %get3A_103 {offsets = [3], sizes = [1], strides = [1]} : vector<16xi32> to vector<1xi32>
        %squeeze3A_222 = vector.extract %slice3A_221[0] : i32 from vector<1xi32>
        %mul3A_223 = arith.constant 8 : i32
        %mul3A_224 = arith.muli %scan3A_96, %mul3A_223 : i32
        %add3A_225 = arith.constant 3 : i32
        %add3A_226 = arith.addi %mul3A_224, %add3A_225 : i32
        %mul3A_227 = arith.constant 64 : i32
        %mul3A_228 = arith.muli %squeeze3A_222, %mul3A_227 : i32
        %add3A_229 = arith.constant 0 : i32
        %add3A_230 = arith.addi %mul3A_228, %add3A_229 : i32
        %get3A_231 = arith.index_cast %add3A_230 : i32 to index
        %get3A_232 = tpu.vector_load %arg5[%get3A_231] {strides = array<i32>} : memref<65536xbf16, #tpu.memory_space<vmem>>, vector<32xbf16>,
        %get3A_233 = vector.shape_cast %get3A_232 : vector<32xbf16> to vector<32xbf16>
        %mul3A_234 = arith.constant 64 : i32
        %mul3A_235 = arith.muli %add3A_226, %mul3A_234 : i32
        %add3A_236 = arith.constant 0 : i32
        %add3A_237 = arith.addi %mul3A_235, %add3A_236 : i32
        %swap3A_238 = arith.constant 0 : i32
        %swap3A_239 = arith.index_cast %swap3A_238 : i32 to index
        %swap3A_240 = arith.index_cast %add3A_237 : i32 to index
        %swap3A_241 = tpu.vector_load %arg7[%swap3A_239, %swap3A_240] {strides = array<i32>} : memref<2x25088xbf16, #tpu.memory_space<vmem>>, vector<1x32xbf16>,
        %swap3A_242 = vector.shape_cast %swap3A_241 : vector<1x32xbf16> to vector<32xbf16>
        %swap3A_243 = vector.shape_cast %get3A_233 : vector<32xbf16> to vector<1x32xbf16>
        tpu.vector_store %arg7[%swap3A_239, %swap3A_240], %swap3A_243 {strides = array<i32>} : memref<2x25088xbf16, #tpu.memory_space<vmem>>, vector<1x32xbf16>,
        %mul3A_244 = arith.constant 64 : i32
        %mul3A_245 = arith.muli %squeeze3A_222, %mul3A_244 : i32
        %add3A_246 = arith.constant 32 : i32
        %add3A_247 = arith.addi %mul3A_245, %add3A_246 : i32
        %get3A_248 = arith.index_cast %add3A_247 : i32 to index
        %get3A_249 = tpu.vector_load %arg5[%get3A_248] {strides = array<i32>} : memref<65536xbf16, #tpu.memory_space<vmem>>, vector<32xbf16>,
        %get3A_250 = vector.shape_cast %get3A_249 : vector<32xbf16> to vector<32xbf16>
        %mul3A_251 = arith.constant 64 : i32
        %mul3A_252 = arith.muli %add3A_226, %mul3A_251 : i32
        %add3A_253 = arith.constant 32 : i32
        %add3A_254 = arith.addi %mul3A_252, %add3A_253 : i32
        %swap3A_255 = arith.constant 0 : i32
        %swap3A_256 = arith.index_cast %swap3A_255 : i32 to index
        %swap3A_257 = arith.index_cast %add3A_254 : i32 to index
        %swap3A_258 = tpu.vector_load %arg7[%swap3A_256, %swap3A_257] {strides = array<i32>} : memref<2x25088xbf16, #tpu.memory_space<vmem>>, vector<1x32xbf16>,
        %swap3A_259 = vector.shape_cast %swap3A_258 : vector<1x32xbf16> to vector<32xbf16>
        %swap3A_260 = vector.shape_cast %get3A_250 : vector<32xbf16> to vector<1x32xbf16>
        tpu.vector_store %arg7[%swap3A_256, %swap3A_257], %swap3A_260 {strides = array<i32>} : memref<2x25088xbf16, #tpu.memory_space<vmem>>, vector<1x32xbf16>,
        %slice3A_261 = vector.extract_strided_slice %get3A_103 {offsets = [4], sizes = [1], strides = [1]} : vector<16xi32> to vector<1xi32>
        %squeeze3A_262 = vector.extract %slice3A_261[0] : i32 from vector<1xi32>
        %mul3A_263 = arith.constant 8 : i32
        %mul3A_264 = arith.muli %scan3A_96, %mul3A_263 : i32
        %add3A_265 = arith.constant 4 : i32
        %add3A_266 = arith.addi %mul3A_264, %add3A_265 : i32
        %mul3A_267 = arith.constant 64 : i32
        %mul3A_268 = arith.muli %squeeze3A_262, %mul3A_267 : i32
        %add3A_269 = arith.constant 0 : i32
        %add3A_270 = arith.addi %mul3A_268, %add3A_269 : i32
        %get3A_271 = arith.index_cast %add3A_270 : i32 to index
        %get3A_272 = tpu.vector_load %arg5[%get3A_271] {strides = array<i32>} : memref<65536xbf16, #tpu.memory_space<vmem>>, vector<32xbf16>,
        %get3A_273 = vector.shape_cast %get3A_272 : vector<32xbf16> to vector<32xbf16>
        %mul3A_274 = arith.constant 64 : i32
        %mul3A_275 = arith.muli %add3A_266, %mul3A_274 : i32
        %add3A_276 = arith.constant 0 : i32
        %add3A_277 = arith.addi %mul3A_275, %add3A_276 : i32
        %swap3A_278 = arith.constant 0 : i32
        %swap3A_279 = arith.index_cast %swap3A_278 : i32 to index
        %swap3A_280 = arith.index_cast %add3A_277 : i32 to index
        %swap3A_281 = tpu.vector_load %arg7[%swap3A_279, %swap3A_280] {strides = array<i32>} : memref<2x25088xbf16, #tpu.memory_space<vmem>>, vector<1x32xbf16>,
        %swap3A_282 = vector.shape_cast %swap3A_281 : vector<1x32xbf16> to vector<32xbf16>
        %swap3A_283 = vector.shape_cast %get3A_273 : vector<32xbf16> to vector<1x32xbf16>
        tpu.vector_store %arg7[%swap3A_279, %swap3A_280], %swap3A_283 {strides = array<i32>} : memref<2x25088xbf16, #tpu.memory_space<vmem>>, vector<1x32xbf16>,
        %mul3A_284 = arith.constant 64 : i32
        %mul3A_285 = arith.muli %squeeze3A_262, %mul3A_284 : i32
        %add3A_286 = arith.constant 32 : i32
        %add3A_287 = arith.addi %mul3A_285, %add3A_286 : i32
        %get3A_288 = arith.index_cast %add3A_287 : i32 to index
        %get3A_289 = tpu.vector_load %arg5[%get3A_288] {strides = array<i32>} : memref<65536xbf16, #tpu.memory_space<vmem>>, vector<32xbf16>,
        %get3A_290 = vector.shape_cast %get3A_289 : vector<32xbf16> to vector<32xbf16>
        %mul3A_291 = arith.constant 64 : i32
        %mul3A_292 = arith.muli %add3A_266, %mul3A_291 : i32
        %add3A_293 = arith.constant 32 : i32
        %add3A_294 = arith.addi %mul3A_292, %add3A_293 : i32
        %swap3A_295 = arith.constant 0 : i32
        %swap3A_296 = arith.index_cast %swap3A_295 : i32 to index
        %swap3A_297 = arith.index_cast %add3A_294 : i32 to index
        %swap3A_298 = tpu.vector_load %arg7[%swap3A_296, %swap3A_297] {strides = array<i32>} : memref<2x25088xbf16, #tpu.memory_space<vmem>>, vector<1x32xbf16>,
        %swap3A_299 = vector.shape_cast %swap3A_298 : vector<1x32xbf16> to vector<32xbf16>
        %swap3A_300 = vector.shape_cast %get3A_290 : vector<32xbf16> to vector<1x32xbf16>
        tpu.vector_store %arg7[%swap3A_296, %swap3A_297], %swap3A_300 {strides = array<i32>} : memref<2x25088xbf16, #tpu.memory_space<vmem>>, vector<1x32xbf16>,
        %slice3A_301 = vector.extract_strided_slice %get3A_103 {offsets = [5], sizes = [1], strides = [1]} : vector<16xi32> to vector<1xi32>
        %squeeze3A_302 = vector.extract %slice3A_301[0] : i32 from vector<1xi32>
        %mul3A_303 = arith.constant 8 : i32
        %mul3A_304 = arith.muli %scan3A_96, %mul3A_303 : i32
        %add3A_305 = arith.constant 5 : i32
        %add3A_306 = arith.addi %mul3A_304, %add3A_305 : i32
        %mul3A_307 = arith.constant 64 : i32
        %mul3A_308 = arith.muli %squeeze3A_302, %mul3A_307 : i32
        %add3A_309 = arith.constant 0 : i32
        %add3A_310 = arith.addi %mul3A_308, %add3A_309 : i32
        %get3A_311 = arith.index_cast %add3A_310 : i32 to index
        %get3A_312 = tpu.vector_load %arg5[%get3A_311] {strides = array<i32>} : memref<65536xbf16, #tpu.memory_space<vmem>>, vector<32xbf16>,
        %get3A_313 = vector.shape_cast %get3A_312 : vector<32xbf16> to vector<32xbf16>
        %mul3A_314 = arith.constant 64 : i32
        %mul3A_315 = arith.muli %add3A_306, %mul3A_314 : i32
        %add3A_316 = arith.constant 0 : i32
        %add3A_317 = arith.addi %mul3A_315, %add3A_316 : i32
        %swap3A_318 = arith.constant 0 : i32
        %swap3A_319 = arith.index_cast %swap3A_318 : i32 to index
        %swap3A_320 = arith.index_cast %add3A_317 : i32 to index
        %swap3A_321 = tpu.vector_load %arg7[%swap3A_319, %swap3A_320] {strides = array<i32>} : memref<2x25088xbf16, #tpu.memory_space<vmem>>, vector<1x32xbf16>,
        %swap3A_322 = vector.shape_cast %swap3A_321 : vector<1x32xbf16> to vector<32xbf16>
        %swap3A_323 = vector.shape_cast %get3A_313 : vector<32xbf16> to vector<1x32xbf16>
        tpu.vector_store %arg7[%swap3A_319, %swap3A_320], %swap3A_323 {strides = array<i32>} : memref<2x25088xbf16, #tpu.memory_space<vmem>>, vector<1x32xbf16>,
        %mul3A_324 = arith.constant 64 : i32
        %mul3A_325 = arith.muli %squeeze3A_302, %mul3A_324 : i32
        %add3A_326 = arith.constant 32 : i32
        %add3A_327 = arith.addi %mul3A_325, %add3A_326 : i32
        %get3A_328 = arith.index_cast %add3A_327 : i32 to index
        %get3A_329 = tpu.vector_load %arg5[%get3A_328] {strides = array<i32>} : memref<65536xbf16, #tpu.memory_space<vmem>>, vector<32xbf16>,
        %get3A_330 = vector.shape_cast %get3A_329 : vector<32xbf16> to vector<32xbf16>
        %mul3A_331 = arith.constant 64 : i32
        %mul3A_332 = arith.muli %add3A_306, %mul3A_331 : i32
        %add3A_333 = arith.constant 32 : i32
        %add3A_334 = arith.addi %mul3A_332, %add3A_333 : i32
        %swap3A_335 = arith.constant 0 : i32
        %swap3A_336 = arith.index_cast %swap3A_335 : i32 to index
        %swap3A_337 = arith.index_cast %add3A_334 : i32 to index
        %swap3A_338 = tpu.vector_load %arg7[%swap3A_336, %swap3A_337] {strides = array<i32>} : memref<2x25088xbf16, #tpu.memory_space<vmem>>, vector<1x32xbf16>,
        %swap3A_339 = vector.shape_cast %swap3A_338 : vector<1x32xbf16> to vector<32xbf16>
        %swap3A_340 = vector.shape_cast %get3A_330 : vector<32xbf16> to vector<1x32xbf16>
        tpu.vector_store %arg7[%swap3A_336, %swap3A_337], %swap3A_340 {strides = array<i32>} : memref<2x25088xbf16, #tpu.memory_space<vmem>>, vector<1x32xbf16>,
        %slice3A_341 = vector.extract_strided_slice %get3A_103 {offsets = [6], sizes = [1], strides = [1]} : vector<16xi32> to vector<1xi32>
        %squeeze3A_342 = vector.extract %slice3A_341[0] : i32 from vector<1xi32>
        %mul3A_343 = arith.constant 8 : i32
        %mul3A_344 = arith.muli %scan3A_96, %mul3A_343 : i32
        %add3A_345 = arith.constant 6 : i32
        %add3A_346 = arith.addi %mul3A_344, %add3A_345 : i32
        %mul3A_347 = arith.constant 64 : i32
        %mul3A_348 = arith.muli %squeeze3A_342, %mul3A_347 : i32
        %add3A_349 = arith.constant 0 : i32
        %add3A_350 = arith.addi %mul3A_348, %add3A_349 : i32
        %get3A_351 = arith.index_cast %add3A_350 : i32 to index
        %get3A_352 = tpu.vector_load %arg5[%get3A_351] {strides = array<i32>} : memref<65536xbf16, #tpu.memory_space<vmem>>, vector<32xbf16>,
        %get3A_353 = vector.shape_cast %get3A_352 : vector<32xbf16> to vector<32xbf16>
        %mul3A_354 = arith.constant 64 : i32
        %mul3A_355 = arith.muli %add3A_346, %mul3A_354 : i32
        %add3A_356 = arith.constant 0 : i32
        %add3A_357 = arith.addi %mul3A_355, %add3A_356 : i32
        %swap3A_358 = arith.constant 0 : i32
        %swap3A_359 = arith.index_cast %swap3A_358 : i32 to index
        %swap3A_360 = arith.index_cast %add3A_357 : i32 to index
        %swap3A_361 = tpu.vector_load %arg7[%swap3A_359, %swap3A_360] {strides = array<i32>} : memref<2x25088xbf16, #tpu.memory_space<vmem>>, vector<1x32xbf16>,
        %swap3A_362 = vector.shape_cast %swap3A_361 : vector<1x32xbf16> to vector<32xbf16>
        %swap3A_363 = vector.shape_cast %get3A_353 : vector<32xbf16> to vector<1x32xbf16>
        tpu.vector_store %arg7[%swap3A_359, %swap3A_360], %swap3A_363 {strides = array<i32>} : memref<2x25088xbf16, #tpu.memory_space<vmem>>, vector<1x32xbf16>,
        %mul3A_364 = arith.constant 64 : i32
        %mul3A_365 = arith.muli %squeeze3A_342, %mul3A_364 : i32
        %add3A_366 = arith.constant 32 : i32
        %add3A_367 = arith.addi %mul3A_365, %add3A_366 : i32
        %get3A_368 = arith.index_cast %add3A_367 : i32 to index
        %get3A_369 = tpu.vector_load %arg5[%get3A_368] {strides = array<i32>} : memref<65536xbf16, #tpu.memory_space<vmem>>, vector<32xbf16>,
        %get3A_370 = vector.shape_cast %get3A_369 : vector<32xbf16> to vector<32xbf16>
        %mul3A_371 = arith.constant 64 : i32
        %mul3A_372 = arith.muli %add3A_346, %mul3A_371 : i32
        %add3A_373 = arith.constant 32 : i32
        %add3A_374 = arith.addi %mul3A_372, %add3A_373 : i32
        %swap3A_375 = arith.constant 0 : i32
        %swap3A_376 = arith.index_cast %swap3A_375 : i32 to index
        %swap3A_377 = arith.index_cast %add3A_374 : i32 to index
        %swap3A_378 = tpu.vector_load %arg7[%swap3A_376, %swap3A_377] {strides = array<i32>} : memref<2x25088xbf16, #tpu.memory_space<vmem>>, vector<1x32xbf16>,
        %swap3A_379 = vector.shape_cast %swap3A_378 : vector<1x32xbf16> to vector<32xbf16>
        %swap3A_380 = vector.shape_cast %get3A_370 : vector<32xbf16> to vector<1x32xbf16>
        tpu.vector_store %arg7[%swap3A_376, %swap3A_377], %swap3A_380 {strides = array<i32>} : memref<2x25088xbf16, #tpu.memory_space<vmem>>, vector<1x32xbf16>,
        %slice3A_381 = vector.extract_strided_slice %get3A_103 {offsets = [7], sizes = [1], strides = [1]} : vector<16xi32> to vector<1xi32>
        %squeeze3A_382 = vector.extract %slice3A_381[0] : i32 from vector<1xi32>
        %mul3A_383 = arith.constant 8 : i32
        %mul3A_384 = arith.muli %scan3A_96, %mul3A_383 : i32
        %add3A_385 = arith.constant 7 : i32
        %add3A_386 = arith.addi %mul3A_384, %add3A_385 : i32
        %mul3A_387 = arith.constant 64 : i32
        %mul3A_388 = arith.muli %squeeze3A_382, %mul3A_387 : i32
        %add3A_389 = arith.constant 0 : i32
        %add3A_390 = arith.addi %mul3A_388, %add3A_389 : i32
        %get3A_391 = arith.index_cast %add3A_390 : i32 to index
        %get3A_392 = tpu.vector_load %arg5[%get3A_391] {strides = array<i32>} : memref<65536xbf16, #tpu.memory_space<vmem>>, vector<32xbf16>,
        %get3A_393 = vector.shape_cast %get3A_392 : vector<32xbf16> to vector<32xbf16>
        %mul3A_394 = arith.constant 64 : i32
        %mul3A_395 = arith.muli %add3A_386, %mul3A_394 : i32
        %add3A_396 = arith.constant 0 : i32
        %add3A_397 = arith.addi %mul3A_395, %add3A_396 : i32
        %swap3A_398 = arith.constant 0 : i32
        %swap3A_399 = arith.index_cast %swap3A_398 : i32 to index
        %swap3A_400 = arith.index_cast %add3A_397 : i32 to index
        %swap3A_401 = tpu.vector_load %arg7[%swap3A_399, %swap3A_400] {strides = array<i32>} : memref<2x25088xbf16, #tpu.memory_space<vmem>>, vector<1x32xbf16>,
        %swap3A_402 = vector.shape_cast %swap3A_401 : vector<1x32xbf16> to vector<32xbf16>
        %swap3A_403 = vector.shape_cast %get3A_393 : vector<32xbf16> to vector<1x32xbf16>
        tpu.vector_store %arg7[%swap3A_399, %swap3A_400], %swap3A_403 {strides = array<i32>} : memref<2x25088xbf16, #tpu.memory_space<vmem>>, vector<1x32xbf16>,
        %mul3A_404 = arith.constant 64 : i32
        %mul3A_405 = arith.muli %squeeze3A_382, %mul3A_404 : i32
        %add3A_406 = arith.constant 32 : i32
        %add3A_407 = arith.addi %mul3A_405, %add3A_406 : i32
        %get3A_408 = arith.index_cast %add3A_407 : i32 to index
        %get3A_409 = tpu.vector_load %arg5[%get3A_408] {strides = array<i32>} : memref<65536xbf16, #tpu.memory_space<vmem>>, vector<32xbf16>,
        %get3A_410 = vector.shape_cast %get3A_409 : vector<32xbf16> to vector<32xbf16>
        %mul3A_411 = arith.constant 64 : i32
        %mul3A_412 = arith.muli %add3A_386, %mul3A_411 : i32
        %add3A_413 = arith.constant 32 : i32
        %add3A_414 = arith.addi %mul3A_412, %add3A_413 : i32
        %swap3A_415 = arith.constant 0 : i32
        %swap3A_416 = arith.index_cast %swap3A_415 : i32 to index
        %swap3A_417 = arith.index_cast %add3A_414 : i32 to index
        %swap3A_418 = tpu.vector_load %arg7[%swap3A_416, %swap3A_417] {strides = array<i32>} : memref<2x25088xbf16, #tpu.memory_space<vmem>>, vector<1x32xbf16>,
        %swap3A_419 = vector.shape_cast %swap3A_418 : vector<1x32xbf16> to vector<32xbf16>
        %swap3A_420 = vector.shape_cast %get3A_410 : vector<32xbf16> to vector<1x32xbf16>
        tpu.vector_store %arg7[%swap3A_416, %swap3A_417], %swap3A_420 {strides = array<i32>} : memref<2x25088xbf16, #tpu.memory_space<vmem>>, vector<1x32xbf16>,
      }
      %scan3A_52 = arith.constant 49 : i32
      %mul3A_53 = arith.constant 392 : i32
      %mul3A_54 = arith.muli %add3A_44, %mul3A_53 : i32
      %add3A_55 = arith.addi %mul3A_2, %mul3A_54 : i32
      %mul3A_56 = arith.constant 64 : i32
      %mul3A_57 = arith.muli %add3A_55, %mul3A_56 : i32
      %dma_start3A_58 = arith.constant 0 : i32
      %dma_start3A_59 = arith.constant 0 : i32
      %dma_start3A_60 = tpu.memref_slice %arg7[%dma_start3A_58, %dma_start3A_59] : memref<2x25088xbf16, #tpu.memory_space<vmem>> -> memref<1x25088xbf16, #tpu.memory_space<vmem>>
      %dma_start3A_61 = tpu.memref_squeeze %dma_start3A_60 : memref<1x25088xbf16, #tpu.memory_space<vmem>> -> memref<25088xbf16, #tpu.memory_space<vmem>>
      %dma_start3A_62 = tpu.memref_slice %arg4[%mul3A_57] : memref<12845056xbf16, #tpu.memory_space<hbm>> -> memref<25088xbf16, #tpu.memory_space<hbm>>
      %dma_start3A_63 = tpu.memref_slice %arg4[%mul3A_57] : memref<12845056xbf16, #tpu.memory_space<hbm>> -> memref<25088xbf16, #tpu.memory_space<hbm>>
      %dma_start3A_64 = arith.constant 0 : i32
      %dma_start3A_65 = tpu.memref_slice %arg7[%dma_start3A_58, %dma_start3A_64] : memref<2x25088xbf16, #tpu.memory_space<vmem>> -> memref<1x25088xbf16, #tpu.memory_space<vmem>>
      %dma_start3A_66 = tpu.memref_squeeze %dma_start3A_65 : memref<1x25088xbf16, #tpu.memory_space<vmem>> -> memref<25088xbf16, #tpu.memory_space<vmem>>
      tpu.enqueue_dma source(%dma_start3A_66 : memref<25088xbf16, #tpu.memory_space<vmem>>) target(%dma_start3A_63 : memref<25088xbf16, #tpu.memory_space<hbm>>) target_semaphore(%arg9 : memref<!tpu.dma_semaphore, #tpu.memory_space<semaphore_mem>>)
      %mul3A_67 = arith.constant 2 : i32
      %mul3A_68 = arith.muli %mul3A_67, %scan3A_40 : i32
      %add3A_69 = arith.constant 1 : i32
      %add3A_70 = arith.addi %mul3A_68, %add3A_69 : i32
      %gt3A_71 = arith.constant 0 : i32
      %gt3A_72 = arith.cmpi sgt, %scan3A_40, %gt3A_71 : i32
      %convert_element_type3A_73 = arith.extui %gt3A_72 : i1 to i32
      %cond3A_74 = arith.constant 0 : i32
      %cond3A_75 = arith.cmpi ne, %convert_element_type3A_73, %cond3A_74 : i32
      scf.if %cond3A_75 {
        %dma_wait3A_96 = arith.constant 1 : i32
        %dma_wait3A_97 = arith.constant 0 : i32
        %dma_wait3A_98 = tpu.memref_slice %arg7[%dma_wait3A_96, %dma_wait3A_97] : memref<2x25088xbf16, #tpu.memory_space<vmem>> -> memref<1x25088xbf16, #tpu.memory_space<vmem>>
        %dma_wait3A_99 = tpu.memref_squeeze %dma_wait3A_98 : memref<1x25088xbf16, #tpu.memory_space<vmem>> -> memref<25088xbf16, #tpu.memory_space<vmem>>
        %dma_wait3A_100 = arith.constant 0 : i32
        %dma_wait3A_101 = tpu.memref_slice %arg4[%dma_wait3A_100] : memref<12845056xbf16, #tpu.memory_space<hbm>> -> memref<25088xbf16, #tpu.memory_space<hbm>>
        %dma_wait3A_102 = arith.constant 0 : i32
        %dma_wait3A_103 = tpu.memref_slice %arg4[%dma_wait3A_102] : memref<12845056xbf16, #tpu.memory_space<hbm>> -> memref<25088xbf16, #tpu.memory_space<hbm>>
        %dma_wait3A_104 = arith.constant 0 : i32
        %dma_wait3A_105 = tpu.memref_slice %arg7[%dma_wait3A_96, %dma_wait3A_104] : memref<2x25088xbf16, #tpu.memory_space<vmem>> -> memref<1x25088xbf16, #tpu.memory_space<vmem>>
        %dma_wait3A_106 = tpu.memref_squeeze %dma_wait3A_105 : memref<1x25088xbf16, #tpu.memory_space<vmem>> -> memref<25088xbf16, #tpu.memory_space<vmem>>
        tpu.wait_dma2 semaphore(%arg10 : memref<!tpu.dma_semaphore, #tpu.memory_space<semaphore_mem>>) src(%dma_wait3A_106 : memref<25088xbf16, #tpu.memory_space<vmem>>) dst(%dma_wait3A_103 : memref<25088xbf16, #tpu.memory_space<hbm>>)
      } else {
      }
      %scan3A_76 = arith.constant 0 : i32
      %scan3A_77 = arith.constant 0 : i32
      %scan3A_78 = arith.constant 49 : i32
      %scan3A_79 = arith.addi %scan3A_77, %scan3A_78 : i32
      %scan3A_80 = arith.constant 1 : i32
      scf.for %scan3A_96 = %scan3A_77 to %scan3A_79 step %scan3A_80  : i32 {
        %mul3A_97 = arith.constant 392 : i32
        %mul3A_98 = arith.muli %add3A_70, %mul3A_97 : i32
        %mul3A_99 = arith.constant 8 : i32
        %mul3A_100 = arith.muli %scan3A_96, %mul3A_99 : i32
        %add3A_101 = arith.addi %mul3A_98, %mul3A_100 : i32
        %get3A = arith.index_cast %add3A_101 : i32 to index
        %get3A_102 = tpu.vector_load %arg6[%get3A] {strides = array<i32>} : memref<6280xi32, #tpu.memory_space<vmem>>, vector<16xi32>,
        %get3A_103 = vector.shape_cast %get3A_102 : vector<16xi32> to vector<16xi32>
        %slice3A = vector.extract_strided_slice %get3A_103 {offsets = [0], sizes = [1], strides = [1]} : vector<16xi32> to vector<1xi32>
        %squeeze3A = vector.extract %slice3A[0] : i32 from vector<1xi32>
        %mul3A_104 = arith.constant 8 : i32
        %mul3A_105 = arith.muli %scan3A_96, %mul3A_104 : i32
        %add3A_106 = arith.constant 0 : i32
        %add3A_107 = arith.addi %mul3A_105, %add3A_106 : i32
        %mul3A_108 = arith.constant 64 : i32
        %mul3A_109 = arith.muli %squeeze3A, %mul3A_108 : i32
        %add3A_110 = arith.constant 0 : i32
        %add3A_111 = arith.addi %mul3A_109, %add3A_110 : i32
        %get3A_112 = arith.index_cast %add3A_111 : i32 to index
        %get3A_113 = tpu.vector_load %arg5[%get3A_112] {strides = array<i32>} : memref<65536xbf16, #tpu.memory_space<vmem>>, vector<32xbf16>,
        %get3A_114 = vector.shape_cast %get3A_113 : vector<32xbf16> to vector<32xbf16>
        %mul3A_115 = arith.constant 64 : i32
        %mul3A_116 = arith.muli %add3A_107, %mul3A_115 : i32
        %add3A_117 = arith.constant 0 : i32
        %add3A_118 = arith.addi %mul3A_116, %add3A_117 : i32
        %swap3A = arith.constant 1 : i32
        %swap3A_119 = arith.index_cast %swap3A : i32 to index
        %swap3A_120 = arith.index_cast %add3A_118 : i32 to index
        %swap3A_121 = tpu.vector_load %arg7[%swap3A_119, %swap3A_120] {strides = array<i32>} : memref<2x25088xbf16, #tpu.memory_space<vmem>>, vector<1x32xbf16>,
        %swap3A_122 = vector.shape_cast %swap3A_121 : vector<1x32xbf16> to vector<32xbf16>
        %swap3A_123 = vector.shape_cast %get3A_114 : vector<32xbf16> to vector<1x32xbf16>
        tpu.vector_store %arg7[%swap3A_119, %swap3A_120], %swap3A_123 {strides = array<i32>} : memref<2x25088xbf16, #tpu.memory_space<vmem>>, vector<1x32xbf16>,
        %mul3A_124 = arith.constant 64 : i32
        %mul3A_125 = arith.muli %squeeze3A, %mul3A_124 : i32
        %add3A_126 = arith.constant 32 : i32
        %add3A_127 = arith.addi %mul3A_125, %add3A_126 : i32
        %get3A_128 = arith.index_cast %add3A_127 : i32 to index
        %get3A_129 = tpu.vector_load %arg5[%get3A_128] {strides = array<i32>} : memref<65536xbf16, #tpu.memory_space<vmem>>, vector<32xbf16>,
        %get3A_130 = vector.shape_cast %get3A_129 : vector<32xbf16> to vector<32xbf16>
        %mul3A_131 = arith.constant 64 : i32
        %mul3A_132 = arith.muli %add3A_107, %mul3A_131 : i32
        %add3A_133 = arith.constant 32 : i32
        %add3A_134 = arith.addi %mul3A_132, %add3A_133 : i32
        %swap3A_135 = arith.constant 1 : i32
        %swap3A_136 = arith.index_cast %swap3A_135 : i32 to index
        %swap3A_137 = arith.index_cast %add3A_134 : i32 to index
        %swap3A_138 = tpu.vector_load %arg7[%swap3A_136, %swap3A_137] {strides = array<i32>} : memref<2x25088xbf16, #tpu.memory_space<vmem>>, vector<1x32xbf16>,
        %swap3A_139 = vector.shape_cast %swap3A_138 : vector<1x32xbf16> to vector<32xbf16>
        %swap3A_140 = vector.shape_cast %get3A_130 : vector<32xbf16> to vector<1x32xbf16>
        tpu.vector_store %arg7[%swap3A_136, %swap3A_137], %swap3A_140 {strides = array<i32>} : memref<2x25088xbf16, #tpu.memory_space<vmem>>, vector<1x32xbf16>,
        %slice3A_141 = vector.extract_strided_slice %get3A_103 {offsets = [1], sizes = [1], strides = [1]} : vector<16xi32> to vector<1xi32>
        %squeeze3A_142 = vector.extract %slice3A_141[0] : i32 from vector<1xi32>
        %mul3A_143 = arith.constant 8 : i32
        %mul3A_144 = arith.muli %scan3A_96, %mul3A_143 : i32
        %add3A_145 = arith.constant 1 : i32
        %add3A_146 = arith.addi %mul3A_144, %add3A_145 : i32
        %mul3A_147 = arith.constant 64 : i32
        %mul3A_148 = arith.muli %squeeze3A_142, %mul3A_147 : i32
        %add3A_149 = arith.constant 0 : i32
        %add3A_150 = arith.addi %mul3A_148, %add3A_149 : i32
        %get3A_151 = arith.index_cast %add3A_150 : i32 to index
        %get3A_152 = tpu.vector_load %arg5[%get3A_151] {strides = array<i32>} : memref<65536xbf16, #tpu.memory_space<vmem>>, vector<32xbf16>,
        %get3A_153 = vector.shape_cast %get3A_152 : vector<32xbf16> to vector<32xbf16>
        %mul3A_154 = arith.constant 64 : i32
        %mul3A_155 = arith.muli %add3A_146, %mul3A_154 : i32
        %add3A_156 = arith.constant 0 : i32
        %add3A_157 = arith.addi %mul3A_155, %add3A_156 : i32
        %swap3A_158 = arith.constant 1 : i32
        %swap3A_159 = arith.index_cast %swap3A_158 : i32 to index
        %swap3A_160 = arith.index_cast %add3A_157 : i32 to index
        %swap3A_161 = tpu.vector_load %arg7[%swap3A_159, %swap3A_160] {strides = array<i32>} : memref<2x25088xbf16, #tpu.memory_space<vmem>>, vector<1x32xbf16>,
        %swap3A_162 = vector.shape_cast %swap3A_161 : vector<1x32xbf16> to vector<32xbf16>
        %swap3A_163 = vector.shape_cast %get3A_153 : vector<32xbf16> to vector<1x32xbf16>
        tpu.vector_store %arg7[%swap3A_159, %swap3A_160], %swap3A_163 {strides = array<i32>} : memref<2x25088xbf16, #tpu.memory_space<vmem>>, vector<1x32xbf16>,
        %mul3A_164 = arith.constant 64 : i32
        %mul3A_165 = arith.muli %squeeze3A_142, %mul3A_164 : i32
        %add3A_166 = arith.constant 32 : i32
        %add3A_167 = arith.addi %mul3A_165, %add3A_166 : i32
        %get3A_168 = arith.index_cast %add3A_167 : i32 to index
        %get3A_169 = tpu.vector_load %arg5[%get3A_168] {strides = array<i32>} : memref<65536xbf16, #tpu.memory_space<vmem>>, vector<32xbf16>,
        %get3A_170 = vector.shape_cast %get3A_169 : vector<32xbf16> to vector<32xbf16>
        %mul3A_171 = arith.constant 64 : i32
        %mul3A_172 = arith.muli %add3A_146, %mul3A_171 : i32
        %add3A_173 = arith.constant 32 : i32
        %add3A_174 = arith.addi %mul3A_172, %add3A_173 : i32
        %swap3A_175 = arith.constant 1 : i32
        %swap3A_176 = arith.index_cast %swap3A_175 : i32 to index
        %swap3A_177 = arith.index_cast %add3A_174 : i32 to index
        %swap3A_178 = tpu.vector_load %arg7[%swap3A_176, %swap3A_177] {strides = array<i32>} : memref<2x25088xbf16, #tpu.memory_space<vmem>>, vector<1x32xbf16>,
        %swap3A_179 = vector.shape_cast %swap3A_178 : vector<1x32xbf16> to vector<32xbf16>
        %swap3A_180 = vector.shape_cast %get3A_170 : vector<32xbf16> to vector<1x32xbf16>
        tpu.vector_store %arg7[%swap3A_176, %swap3A_177], %swap3A_180 {strides = array<i32>} : memref<2x25088xbf16, #tpu.memory_space<vmem>>, vector<1x32xbf16>,
        %slice3A_181 = vector.extract_strided_slice %get3A_103 {offsets = [2], sizes = [1], strides = [1]} : vector<16xi32> to vector<1xi32>
        %squeeze3A_182 = vector.extract %slice3A_181[0] : i32 from vector<1xi32>
        %mul3A_183 = arith.constant 8 : i32
        %mul3A_184 = arith.muli %scan3A_96, %mul3A_183 : i32
        %add3A_185 = arith.constant 2 : i32
        %add3A_186 = arith.addi %mul3A_184, %add3A_185 : i32
        %mul3A_187 = arith.constant 64 : i32
        %mul3A_188 = arith.muli %squeeze3A_182, %mul3A_187 : i32
        %add3A_189 = arith.constant 0 : i32
        %add3A_190 = arith.addi %mul3A_188, %add3A_189 : i32
        %get3A_191 = arith.index_cast %add3A_190 : i32 to index
        %get3A_192 = tpu.vector_load %arg5[%get3A_191] {strides = array<i32>} : memref<65536xbf16, #tpu.memory_space<vmem>>, vector<32xbf16>,
        %get3A_193 = vector.shape_cast %get3A_192 : vector<32xbf16> to vector<32xbf16>
        %mul3A_194 = arith.constant 64 : i32
        %mul3A_195 = arith.muli %add3A_186, %mul3A_194 : i32
        %add3A_196 = arith.constant 0 : i32
        %add3A_197 = arith.addi %mul3A_195, %add3A_196 : i32
        %swap3A_198 = arith.constant 1 : i32
        %swap3A_199 = arith.index_cast %swap3A_198 : i32 to index
        %swap3A_200 = arith.index_cast %add3A_197 : i32 to index
        %swap3A_201 = tpu.vector_load %arg7[%swap3A_199, %swap3A_200] {strides = array<i32>} : memref<2x25088xbf16, #tpu.memory_space<vmem>>, vector<1x32xbf16>,
        %swap3A_202 = vector.shape_cast %swap3A_201 : vector<1x32xbf16> to vector<32xbf16>
        %swap3A_203 = vector.shape_cast %get3A_193 : vector<32xbf16> to vector<1x32xbf16>
        tpu.vector_store %arg7[%swap3A_199, %swap3A_200], %swap3A_203 {strides = array<i32>} : memref<2x25088xbf16, #tpu.memory_space<vmem>>, vector<1x32xbf16>,
        %mul3A_204 = arith.constant 64 : i32
        %mul3A_205 = arith.muli %squeeze3A_182, %mul3A_204 : i32
        %add3A_206 = arith.constant 32 : i32
        %add3A_207 = arith.addi %mul3A_205, %add3A_206 : i32
        %get3A_208 = arith.index_cast %add3A_207 : i32 to index
        %get3A_209 = tpu.vector_load %arg5[%get3A_208] {strides = array<i32>} : memref<65536xbf16, #tpu.memory_space<vmem>>, vector<32xbf16>,
        %get3A_210 = vector.shape_cast %get3A_209 : vector<32xbf16> to vector<32xbf16>
        %mul3A_211 = arith.constant 64 : i32
        %mul3A_212 = arith.muli %add3A_186, %mul3A_211 : i32
        %add3A_213 = arith.constant 32 : i32
        %add3A_214 = arith.addi %mul3A_212, %add3A_213 : i32
        %swap3A_215 = arith.constant 1 : i32
        %swap3A_216 = arith.index_cast %swap3A_215 : i32 to index
        %swap3A_217 = arith.index_cast %add3A_214 : i32 to index
        %swap3A_218 = tpu.vector_load %arg7[%swap3A_216, %swap3A_217] {strides = array<i32>} : memref<2x25088xbf16, #tpu.memory_space<vmem>>, vector<1x32xbf16>,
        %swap3A_219 = vector.shape_cast %swap3A_218 : vector<1x32xbf16> to vector<32xbf16>
        %swap3A_220 = vector.shape_cast %get3A_210 : vector<32xbf16> to vector<1x32xbf16>
        tpu.vector_store %arg7[%swap3A_216, %swap3A_217], %swap3A_220 {strides = array<i32>} : memref<2x25088xbf16, #tpu.memory_space<vmem>>, vector<1x32xbf16>,
        %slice3A_221 = vector.extract_strided_slice %get3A_103 {offsets = [3], sizes = [1], strides = [1]} : vector<16xi32> to vector<1xi32>
        %squeeze3A_222 = vector.extract %slice3A_221[0] : i32 from vector<1xi32>
        %mul3A_223 = arith.constant 8 : i32
        %mul3A_224 = arith.muli %scan3A_96, %mul3A_223 : i32
        %add3A_225 = arith.constant 3 : i32
        %add3A_226 = arith.addi %mul3A_224, %add3A_225 : i32
        %mul3A_227 = arith.constant 64 : i32
        %mul3A_228 = arith.muli %squeeze3A_222, %mul3A_227 : i32
        %add3A_229 = arith.constant 0 : i32
        %add3A_230 = arith.addi %mul3A_228, %add3A_229 : i32
        %get3A_231 = arith.index_cast %add3A_230 : i32 to index
        %get3A_232 = tpu.vector_load %arg5[%get3A_231] {strides = array<i32>} : memref<65536xbf16, #tpu.memory_space<vmem>>, vector<32xbf16>,
        %get3A_233 = vector.shape_cast %get3A_232 : vector<32xbf16> to vector<32xbf16>
        %mul3A_234 = arith.constant 64 : i32
        %mul3A_235 = arith.muli %add3A_226, %mul3A_234 : i32
        %add3A_236 = arith.constant 0 : i32
        %add3A_237 = arith.addi %mul3A_235, %add3A_236 : i32
        %swap3A_238 = arith.constant 1 : i32
        %swap3A_239 = arith.index_cast %swap3A_238 : i32 to index
        %swap3A_240 = arith.index_cast %add3A_237 : i32 to index
        %swap3A_241 = tpu.vector_load %arg7[%swap3A_239, %swap3A_240] {strides = array<i32>} : memref<2x25088xbf16, #tpu.memory_space<vmem>>, vector<1x32xbf16>,
        %swap3A_242 = vector.shape_cast %swap3A_241 : vector<1x32xbf16> to vector<32xbf16>
        %swap3A_243 = vector.shape_cast %get3A_233 : vector<32xbf16> to vector<1x32xbf16>
        tpu.vector_store %arg7[%swap3A_239, %swap3A_240], %swap3A_243 {strides = array<i32>} : memref<2x25088xbf16, #tpu.memory_space<vmem>>, vector<1x32xbf16>,
        %mul3A_244 = arith.constant 64 : i32
        %mul3A_245 = arith.muli %squeeze3A_222, %mul3A_244 : i32
        %add3A_246 = arith.constant 32 : i32
        %add3A_247 = arith.addi %mul3A_245, %add3A_246 : i32
        %get3A_248 = arith.index_cast %add3A_247 : i32 to index
        %get3A_249 = tpu.vector_load %arg5[%get3A_248] {strides = array<i32>} : memref<65536xbf16, #tpu.memory_space<vmem>>, vector<32xbf16>,
        %get3A_250 = vector.shape_cast %get3A_249 : vector<32xbf16> to vector<32xbf16>
        %mul3A_251 = arith.constant 64 : i32
        %mul3A_252 = arith.muli %add3A_226, %mul3A_251 : i32
        %add3A_253 = arith.constant 32 : i32
        %add3A_254 = arith.addi %mul3A_252, %add3A_253 : i32
        %swap3A_255 = arith.constant 1 : i32
        %swap3A_256 = arith.index_cast %swap3A_255 : i32 to index
        %swap3A_257 = arith.index_cast %add3A_254 : i32 to index
        %swap3A_258 = tpu.vector_load %arg7[%swap3A_256, %swap3A_257] {strides = array<i32>} : memref<2x25088xbf16, #tpu.memory_space<vmem>>, vector<1x32xbf16>,
        %swap3A_259 = vector.shape_cast %swap3A_258 : vector<1x32xbf16> to vector<32xbf16>
        %swap3A_260 = vector.shape_cast %get3A_250 : vector<32xbf16> to vector<1x32xbf16>
        tpu.vector_store %arg7[%swap3A_256, %swap3A_257], %swap3A_260 {strides = array<i32>} : memref<2x25088xbf16, #tpu.memory_space<vmem>>, vector<1x32xbf16>,
        %slice3A_261 = vector.extract_strided_slice %get3A_103 {offsets = [4], sizes = [1], strides = [1]} : vector<16xi32> to vector<1xi32>
        %squeeze3A_262 = vector.extract %slice3A_261[0] : i32 from vector<1xi32>
        %mul3A_263 = arith.constant 8 : i32
        %mul3A_264 = arith.muli %scan3A_96, %mul3A_263 : i32
        %add3A_265 = arith.constant 4 : i32
        %add3A_266 = arith.addi %mul3A_264, %add3A_265 : i32
        %mul3A_267 = arith.constant 64 : i32
        %mul3A_268 = arith.muli %squeeze3A_262, %mul3A_267 : i32
        %add3A_269 = arith.constant 0 : i32
        %add3A_270 = arith.addi %mul3A_268, %add3A_269 : i32
        %get3A_271 = arith.index_cast %add3A_270 : i32 to index
        %get3A_272 = tpu.vector_load %arg5[%get3A_271] {strides = array<i32>} : memref<65536xbf16, #tpu.memory_space<vmem>>, vector<32xbf16>,
        %get3A_273 = vector.shape_cast %get3A_272 : vector<32xbf16> to vector<32xbf16>
        %mul3A_274 = arith.constant 64 : i32
        %mul3A_275 = arith.muli %add3A_266, %mul3A_274 : i32
        %add3A_276 = arith.constant 0 : i32
        %add3A_277 = arith.addi %mul3A_275, %add3A_276 : i32
        %swap3A_278 = arith.constant 1 : i32
        %swap3A_279 = arith.index_cast %swap3A_278 : i32 to index
        %swap3A_280 = arith.index_cast %add3A_277 : i32 to index
        %swap3A_281 = tpu.vector_load %arg7[%swap3A_279, %swap3A_280] {strides = array<i32>} : memref<2x25088xbf16, #tpu.memory_space<vmem>>, vector<1x32xbf16>,
        %swap3A_282 = vector.shape_cast %swap3A_281 : vector<1x32xbf16> to vector<32xbf16>
        %swap3A_283 = vector.shape_cast %get3A_273 : vector<32xbf16> to vector<1x32xbf16>
        tpu.vector_store %arg7[%swap3A_279, %swap3A_280], %swap3A_283 {strides = array<i32>} : memref<2x25088xbf16, #tpu.memory_space<vmem>>, vector<1x32xbf16>,
        %mul3A_284 = arith.constant 64 : i32
        %mul3A_285 = arith.muli %squeeze3A_262, %mul3A_284 : i32
        %add3A_286 = arith.constant 32 : i32
        %add3A_287 = arith.addi %mul3A_285, %add3A_286 : i32
        %get3A_288 = arith.index_cast %add3A_287 : i32 to index
        %get3A_289 = tpu.vector_load %arg5[%get3A_288] {strides = array<i32>} : memref<65536xbf16, #tpu.memory_space<vmem>>, vector<32xbf16>,
        %get3A_290 = vector.shape_cast %get3A_289 : vector<32xbf16> to vector<32xbf16>
        %mul3A_291 = arith.constant 64 : i32
        %mul3A_292 = arith.muli %add3A_266, %mul3A_291 : i32
        %add3A_293 = arith.constant 32 : i32
        %add3A_294 = arith.addi %mul3A_292, %add3A_293 : i32
        %swap3A_295 = arith.constant 1 : i32
        %swap3A_296 = arith.index_cast %swap3A_295 : i32 to index
        %swap3A_297 = arith.index_cast %add3A_294 : i32 to index
        %swap3A_298 = tpu.vector_load %arg7[%swap3A_296, %swap3A_297] {strides = array<i32>} : memref<2x25088xbf16, #tpu.memory_space<vmem>>, vector<1x32xbf16>,
        %swap3A_299 = vector.shape_cast %swap3A_298 : vector<1x32xbf16> to vector<32xbf16>
        %swap3A_300 = vector.shape_cast %get3A_290 : vector<32xbf16> to vector<1x32xbf16>
        tpu.vector_store %arg7[%swap3A_296, %swap3A_297], %swap3A_300 {strides = array<i32>} : memref<2x25088xbf16, #tpu.memory_space<vmem>>, vector<1x32xbf16>,
        %slice3A_301 = vector.extract_strided_slice %get3A_103 {offsets = [5], sizes = [1], strides = [1]} : vector<16xi32> to vector<1xi32>
        %squeeze3A_302 = vector.extract %slice3A_301[0] : i32 from vector<1xi32>
        %mul3A_303 = arith.constant 8 : i32
        %mul3A_304 = arith.muli %scan3A_96, %mul3A_303 : i32
        %add3A_305 = arith.constant 5 : i32
        %add3A_306 = arith.addi %mul3A_304, %add3A_305 : i32
        %mul3A_307 = arith.constant 64 : i32
        %mul3A_308 = arith.muli %squeeze3A_302, %mul3A_307 : i32
        %add3A_309 = arith.constant 0 : i32
        %add3A_310 = arith.addi %mul3A_308, %add3A_309 : i32
        %get3A_311 = arith.index_cast %add3A_310 : i32 to index
        %get3A_312 = tpu.vector_load %arg5[%get3A_311] {strides = array<i32>} : memref<65536xbf16, #tpu.memory_space<vmem>>, vector<32xbf16>,
        %get3A_313 = vector.shape_cast %get3A_312 : vector<32xbf16> to vector<32xbf16>
        %mul3A_314 = arith.constant 64 : i32
        %mul3A_315 = arith.muli %add3A_306, %mul3A_314 : i32
        %add3A_316 = arith.constant 0 : i32
        %add3A_317 = arith.addi %mul3A_315, %add3A_316 : i32
        %swap3A_318 = arith.constant 1 : i32
        %swap3A_319 = arith.index_cast %swap3A_318 : i32 to index
        %swap3A_320 = arith.index_cast %add3A_317 : i32 to index
        %swap3A_321 = tpu.vector_load %arg7[%swap3A_319, %swap3A_320] {strides = array<i32>} : memref<2x25088xbf16, #tpu.memory_space<vmem>>, vector<1x32xbf16>,
        %swap3A_322 = vector.shape_cast %swap3A_321 : vector<1x32xbf16> to vector<32xbf16>
        %swap3A_323 = vector.shape_cast %get3A_313 : vector<32xbf16> to vector<1x32xbf16>
        tpu.vector_store %arg7[%swap3A_319, %swap3A_320], %swap3A_323 {strides = array<i32>} : memref<2x25088xbf16, #tpu.memory_space<vmem>>, vector<1x32xbf16>,
        %mul3A_324 = arith.constant 64 : i32
        %mul3A_325 = arith.muli %squeeze3A_302, %mul3A_324 : i32
        %add3A_326 = arith.constant 32 : i32
        %add3A_327 = arith.addi %mul3A_325, %add3A_326 : i32
        %get3A_328 = arith.index_cast %add3A_327 : i32 to index
        %get3A_329 = tpu.vector_load %arg5[%get3A_328] {strides = array<i32>} : memref<65536xbf16, #tpu.memory_space<vmem>>, vector<32xbf16>,
        %get3A_330 = vector.shape_cast %get3A_329 : vector<32xbf16> to vector<32xbf16>
        %mul3A_331 = arith.constant 64 : i32
        %mul3A_332 = arith.muli %add3A_306, %mul3A_331 : i32
        %add3A_333 = arith.constant 32 : i32
        %add3A_334 = arith.addi %mul3A_332, %add3A_333 : i32
        %swap3A_335 = arith.constant 1 : i32
        %swap3A_336 = arith.index_cast %swap3A_335 : i32 to index
        %swap3A_337 = arith.index_cast %add3A_334 : i32 to index
        %swap3A_338 = tpu.vector_load %arg7[%swap3A_336, %swap3A_337] {strides = array<i32>} : memref<2x25088xbf16, #tpu.memory_space<vmem>>, vector<1x32xbf16>,
        %swap3A_339 = vector.shape_cast %swap3A_338 : vector<1x32xbf16> to vector<32xbf16>
        %swap3A_340 = vector.shape_cast %get3A_330 : vector<32xbf16> to vector<1x32xbf16>
        tpu.vector_store %arg7[%swap3A_336, %swap3A_337], %swap3A_340 {strides = array<i32>} : memref<2x25088xbf16, #tpu.memory_space<vmem>>, vector<1x32xbf16>,
        %slice3A_341 = vector.extract_strided_slice %get3A_103 {offsets = [6], sizes = [1], strides = [1]} : vector<16xi32> to vector<1xi32>
        %squeeze3A_342 = vector.extract %slice3A_341[0] : i32 from vector<1xi32>
        %mul3A_343 = arith.constant 8 : i32
        %mul3A_344 = arith.muli %scan3A_96, %mul3A_343 : i32
        %add3A_345 = arith.constant 6 : i32
        %add3A_346 = arith.addi %mul3A_344, %add3A_345 : i32
        %mul3A_347 = arith.constant 64 : i32
        %mul3A_348 = arith.muli %squeeze3A_342, %mul3A_347 : i32
        %add3A_349 = arith.constant 0 : i32
        %add3A_350 = arith.addi %mul3A_348, %add3A_349 : i32
        %get3A_351 = arith.index_cast %add3A_350 : i32 to index
        %get3A_352 = tpu.vector_load %arg5[%get3A_351] {strides = array<i32>} : memref<65536xbf16, #tpu.memory_space<vmem>>, vector<32xbf16>,
        %get3A_353 = vector.shape_cast %get3A_352 : vector<32xbf16> to vector<32xbf16>
        %mul3A_354 = arith.constant 64 : i32
        %mul3A_355 = arith.muli %add3A_346, %mul3A_354 : i32
        %add3A_356 = arith.constant 0 : i32
        %add3A_357 = arith.addi %mul3A_355, %add3A_356 : i32
        %swap3A_358 = arith.constant 1 : i32
        %swap3A_359 = arith.index_cast %swap3A_358 : i32 to index
        %swap3A_360 = arith.index_cast %add3A_357 : i32 to index
        %swap3A_361 = tpu.vector_load %arg7[%swap3A_359, %swap3A_360] {strides = array<i32>} : memref<2x25088xbf16, #tpu.memory_space<vmem>>, vector<1x32xbf16>,
        %swap3A_362 = vector.shape_cast %swap3A_361 : vector<1x32xbf16> to vector<32xbf16>
        %swap3A_363 = vector.shape_cast %get3A_353 : vector<32xbf16> to vector<1x32xbf16>
        tpu.vector_store %arg7[%swap3A_359, %swap3A_360], %swap3A_363 {strides = array<i32>} : memref<2x25088xbf16, #tpu.memory_space<vmem>>, vector<1x32xbf16>,
        %mul3A_364 = arith.constant 64 : i32
        %mul3A_365 = arith.muli %squeeze3A_342, %mul3A_364 : i32
        %add3A_366 = arith.constant 32 : i32
        %add3A_367 = arith.addi %mul3A_365, %add3A_366 : i32
        %get3A_368 = arith.index_cast %add3A_367 : i32 to index
        %get3A_369 = tpu.vector_load %arg5[%get3A_368] {strides = array<i32>} : memref<65536xbf16, #tpu.memory_space<vmem>>, vector<32xbf16>,
        %get3A_370 = vector.shape_cast %get3A_369 : vector<32xbf16> to vector<32xbf16>
        %mul3A_371 = arith.constant 64 : i32
        %mul3A_372 = arith.muli %add3A_346, %mul3A_371 : i32
        %add3A_373 = arith.constant 32 : i32
        %add3A_374 = arith.addi %mul3A_372, %add3A_373 : i32
        %swap3A_375 = arith.constant 1 : i32
        %swap3A_376 = arith.index_cast %swap3A_375 : i32 to index
        %swap3A_377 = arith.index_cast %add3A_374 : i32 to index
        %swap3A_378 = tpu.vector_load %arg7[%swap3A_376, %swap3A_377] {strides = array<i32>} : memref<2x25088xbf16, #tpu.memory_space<vmem>>, vector<1x32xbf16>,
        %swap3A_379 = vector.shape_cast %swap3A_378 : vector<1x32xbf16> to vector<32xbf16>
        %swap3A_380 = vector.shape_cast %get3A_370 : vector<32xbf16> to vector<1x32xbf16>
        tpu.vector_store %arg7[%swap3A_376, %swap3A_377], %swap3A_380 {strides = array<i32>} : memref<2x25088xbf16, #tpu.memory_space<vmem>>, vector<1x32xbf16>,
        %slice3A_381 = vector.extract_strided_slice %get3A_103 {offsets = [7], sizes = [1], strides = [1]} : vector<16xi32> to vector<1xi32>
        %squeeze3A_382 = vector.extract %slice3A_381[0] : i32 from vector<1xi32>
        %mul3A_383 = arith.constant 8 : i32
        %mul3A_384 = arith.muli %scan3A_96, %mul3A_383 : i32
        %add3A_385 = arith.constant 7 : i32
        %add3A_386 = arith.addi %mul3A_384, %add3A_385 : i32
        %mul3A_387 = arith.constant 64 : i32
        %mul3A_388 = arith.muli %squeeze3A_382, %mul3A_387 : i32
        %add3A_389 = arith.constant 0 : i32
        %add3A_390 = arith.addi %mul3A_388, %add3A_389 : i32
        %get3A_391 = arith.index_cast %add3A_390 : i32 to index
        %get3A_392 = tpu.vector_load %arg5[%get3A_391] {strides = array<i32>} : memref<65536xbf16, #tpu.memory_space<vmem>>, vector<32xbf16>,
        %get3A_393 = vector.shape_cast %get3A_392 : vector<32xbf16> to vector<32xbf16>
        %mul3A_394 = arith.constant 64 : i32
        %mul3A_395 = arith.muli %add3A_386, %mul3A_394 : i32
        %add3A_396 = arith.constant 0 : i32
        %add3A_397 = arith.addi %mul3A_395, %add3A_396 : i32
        %swap3A_398 = arith.constant 1 : i32
        %swap3A_399 = arith.index_cast %swap3A_398 : i32 to index
        %swap3A_400 = arith.index_cast %add3A_397 : i32 to index
        %swap3A_401 = tpu.vector_load %arg7[%swap3A_399, %swap3A_400] {strides = array<i32>} : memref<2x25088xbf16, #tpu.memory_space<vmem>>, vector<1x32xbf16>,
        %swap3A_402 = vector.shape_cast %swap3A_401 : vector<1x32xbf16> to vector<32xbf16>
        %swap3A_403 = vector.shape_cast %get3A_393 : vector<32xbf16> to vector<1x32xbf16>
        tpu.vector_store %arg7[%swap3A_399, %swap3A_400], %swap3A_403 {strides = array<i32>} : memref<2x25088xbf16, #tpu.memory_space<vmem>>, vector<1x32xbf16>,
        %mul3A_404 = arith.constant 64 : i32
        %mul3A_405 = arith.muli %squeeze3A_382, %mul3A_404 : i32
        %add3A_406 = arith.constant 32 : i32
        %add3A_407 = arith.addi %mul3A_405, %add3A_406 : i32
        %get3A_408 = arith.index_cast %add3A_407 : i32 to index
        %get3A_409 = tpu.vector_load %arg5[%get3A_408] {strides = array<i32>} : memref<65536xbf16, #tpu.memory_space<vmem>>, vector<32xbf16>,
        %get3A_410 = vector.shape_cast %get3A_409 : vector<32xbf16> to vector<32xbf16>
        %mul3A_411 = arith.constant 64 : i32
        %mul3A_412 = arith.muli %add3A_386, %mul3A_411 : i32
        %add3A_413 = arith.constant 32 : i32
        %add3A_414 = arith.addi %mul3A_412, %add3A_413 : i32
        %swap3A_415 = arith.constant 1 : i32
        %swap3A_416 = arith.index_cast %swap3A_415 : i32 to index
        %swap3A_417 = arith.index_cast %add3A_414 : i32 to index
        %swap3A_418 = tpu.vector_load %arg7[%swap3A_416, %swap3A_417] {strides = array<i32>} : memref<2x25088xbf16, #tpu.memory_space<vmem>>, vector<1x32xbf16>,
        %swap3A_419 = vector.shape_cast %swap3A_418 : vector<1x32xbf16> to vector<32xbf16>
        %swap3A_420 = vector.shape_cast %get3A_410 : vector<32xbf16> to vector<1x32xbf16>
        tpu.vector_store %arg7[%swap3A_416, %swap3A_417], %swap3A_420 {strides = array<i32>} : memref<2x25088xbf16, #tpu.memory_space<vmem>>, vector<1x32xbf16>,
      }
      %scan3A_81 = arith.constant 49 : i32
      %mul3A_82 = arith.constant 392 : i32
      %mul3A_83 = arith.muli %add3A_70, %mul3A_82 : i32
      %add3A_84 = arith.addi %mul3A_2, %mul3A_83 : i32
      %mul3A_85 = arith.constant 64 : i32
      %mul3A_86 = arith.muli %add3A_84, %mul3A_85 : i32
      %dma_start3A_87 = arith.constant 1 : i32
      %dma_start3A_88 = arith.constant 0 : i32
      %dma_start3A_89 = tpu.memref_slice %arg7[%dma_start3A_87, %dma_start3A_88] : memref<2x25088xbf16, #tpu.memory_space<vmem>> -> memref<1x25088xbf16, #tpu.memory_space<vmem>>
      %dma_start3A_90 = tpu.memref_squeeze %dma_start3A_89 : memref<1x25088xbf16, #tpu.memory_space<vmem>> -> memref<25088xbf16, #tpu.memory_space<vmem>>
      %dma_start3A_91 = tpu.memref_slice %arg4[%mul3A_86] : memref<12845056xbf16, #tpu.memory_space<hbm>> -> memref<25088xbf16, #tpu.memory_space<hbm>>
      %dma_start3A_92 = tpu.memref_slice %arg4[%mul3A_86] : memref<12845056xbf16, #tpu.memory_space<hbm>> -> memref<25088xbf16, #tpu.memory_space<hbm>>
      %dma_start3A_93 = arith.constant 0 : i32
      %dma_start3A_94 = tpu.memref_slice %arg7[%dma_start3A_87, %dma_start3A_93] : memref<2x25088xbf16, #tpu.memory_space<vmem>> -> memref<1x25088xbf16, #tpu.memory_space<vmem>>
      %dma_start3A_95 = tpu.memref_squeeze %dma_start3A_94 : memref<1x25088xbf16, #tpu.memory_space<vmem>> -> memref<25088xbf16, #tpu.memory_space<vmem>>
      tpu.enqueue_dma source(%dma_start3A_95 : memref<25088xbf16, #tpu.memory_space<vmem>>) target(%dma_start3A_92 : memref<25088xbf16, #tpu.memory_space<hbm>>) target_semaphore(%arg10 : memref<!tpu.dma_semaphore, #tpu.memory_space<semaphore_mem>>)
    }
    %scan3A_17 = arith.constant 8 : i32
    %dma_wait3A_18 = arith.constant 0 : i32
    %dma_wait3A_19 = arith.constant 0 : i32
    %dma_wait3A_20 = tpu.memref_slice %arg7[%dma_wait3A_18, %dma_wait3A_19] : memref<2x25088xbf16, #tpu.memory_space<vmem>> -> memref<1x25088xbf16, #tpu.memory_space<vmem>>
    %dma_wait3A_21 = tpu.memref_squeeze %dma_wait3A_20 : memref<1x25088xbf16, #tpu.memory_space<vmem>> -> memref<25088xbf16, #tpu.memory_space<vmem>>
    %dma_wait3A_22 = arith.constant 0 : i32
    %dma_wait3A_23 = tpu.memref_slice %arg4[%dma_wait3A_22] : memref<12845056xbf16, #tpu.memory_space<hbm>> -> memref<25088xbf16, #tpu.memory_space<hbm>>
    %dma_wait3A_24 = arith.constant 0 : i32
    %dma_wait3A_25 = tpu.memref_slice %arg4[%dma_wait3A_24] : memref<12845056xbf16, #tpu.memory_space<hbm>> -> memref<25088xbf16, #tpu.memory_space<hbm>>
    %dma_wait3A_26 = arith.constant 0 : i32
    %dma_wait3A_27 = tpu.memref_slice %arg7[%dma_wait3A_18, %dma_wait3A_26] : memref<2x25088xbf16, #tpu.memory_space<vmem>> -> memref<1x25088xbf16, #tpu.memory_space<vmem>>
    %dma_wait3A_28 = tpu.memref_squeeze %dma_wait3A_27 : memref<1x25088xbf16, #tpu.memory_space<vmem>> -> memref<25088xbf16, #tpu.memory_space<vmem>>
    tpu.wait_dma2 semaphore(%arg9 : memref<!tpu.dma_semaphore, #tpu.memory_space<semaphore_mem>>) src(%dma_wait3A_28 : memref<25088xbf16, #tpu.memory_space<vmem>>) dst(%dma_wait3A_25 : memref<25088xbf16, #tpu.memory_space<hbm>>)
    %dma_wait3A_29 = arith.constant 1 : i32
    %dma_wait3A_30 = arith.constant 0 : i32
    %dma_wait3A_31 = tpu.memref_slice %arg7[%dma_wait3A_29, %dma_wait3A_30] : memref<2x25088xbf16, #tpu.memory_space<vmem>> -> memref<1x25088xbf16, #tpu.memory_space<vmem>>
    %dma_wait3A_32 = tpu.memref_squeeze %dma_wait3A_31 : memref<1x25088xbf16, #tpu.memory_space<vmem>> -> memref<25088xbf16, #tpu.memory_space<vmem>>
    %dma_wait3A_33 = arith.constant 0 : i32
    %dma_wait3A_34 = tpu.memref_slice %arg4[%dma_wait3A_33] : memref<12845056xbf16, #tpu.memory_space<hbm>> -> memref<25088xbf16, #tpu.memory_space<hbm>>
    %dma_wait3A_35 = arith.constant 0 : i32
    %dma_wait3A_36 = tpu.memref_slice %arg4[%dma_wait3A_35] : memref<12845056xbf16, #tpu.memory_space<hbm>> -> memref<25088xbf16, #tpu.memory_space<hbm>>
    %dma_wait3A_37 = arith.constant 0 : i32
    %dma_wait3A_38 = tpu.memref_slice %arg7[%dma_wait3A_29, %dma_wait3A_37] : memref<2x25088xbf16, #tpu.memory_space<vmem>> -> memref<1x25088xbf16, #tpu.memory_space<vmem>>
    %dma_wait3A_39 = tpu.memref_squeeze %dma_wait3A_38 : memref<1x25088xbf16, #tpu.memory_space<vmem>> -> memref<25088xbf16, #tpu.memory_space<vmem>>
    tpu.wait_dma2 semaphore(%arg10 : memref<!tpu.dma_semaphore, #tpu.memory_space<semaphore_mem>>) src(%dma_wait3A_39 : memref<25088xbf16, #tpu.memory_space<vmem>>) dst(%dma_wait3A_36 : memref<25088xbf16, #tpu.memory_space<hbm>>)
    return
  }
}

module attributes {stable_mosaic.version = 14 : i64} {
  func.func @body(%arg0: i32, %arg1: i32, %arg2: memref<1x16x224x3xbf16, #tpu.memory_space<vmem>>, %arg3: memref<1x1x1x224x3xbf16, #tpu.memory_space<vmem>>, %arg4: memref<1x1x1x224x3xbf16, #tpu.memory_space<vmem>>, %arg5: memref<27x192xbf16, #tpu.memory_space<vmem>>, %arg6: memref<1x192xf32, #tpu.memory_space<vmem>>, %arg7: memref<1x16x224x192xbf16, #tpu.memory_space<vmem>>) attributes {dimension_semantics = [#tpu.dimension_semantics<arbitrary>, #tpu.dimension_semantics<arbitrary>], iteration_bounds = array<i64: 4, 14>, scalar_prefetch = 0 : i64, scratch_operands = 0 : i64, tpu.core_type = #tpu.core_type<tc>, window_params = [{transform_indices = @transform_0, window_bounds = array<i64: 1, 16, 224, 3>}, {transform_indices = @transform_1, window_bounds = array<i64: 1, 1, 1, 224, 3>}, {transform_indices = @transform_2, window_bounds = array<i64: 1, 1, 1, 224, 3>}, {pipeline_mode = #tpu.pipeline_mode<synchronous>, transform_indices = @transform_3, window_bounds = array<i64: 27, 192>}, {pipeline_mode = #tpu.pipeline_mode<synchronous>, transform_indices = @transform_4, window_bounds = array<i64: 1, 192>}, {transform_indices = @transform_5, window_bounds = array<i64: 1, 16, 224, 192>}]} {
    %get3A = arith.constant 0 : index
    %get3A_0 = arith.constant 0 : index
    %get3A_1 = arith.constant 0 : index
    %get3A_2 = arith.constant 0 : index
    %get3A_3 = arith.constant 0 : index
    %get3A_4 = vector.load %arg3[%get3A, %get3A_0, %get3A_1, %get3A_2, %get3A_3] : memref<1x1x1x224x3xbf16, #tpu.memory_space<vmem>>, vector<1x1x1x224x3xbf16>
    %get3A_5 = vector.shape_cast %get3A_4 : vector<1x1x1x224x3xbf16> to vector<1x224x3xbf16>
    %get3A_6 = arith.constant 0 : index
    %get3A_7 = arith.constant 0 : index
    %get3A_8 = arith.constant 0 : index
    %get3A_9 = arith.constant 0 : index
    %get3A_10 = vector.load %arg2[%get3A_6, %get3A_7, %get3A_8, %get3A_9] : memref<1x16x224x3xbf16, #tpu.memory_space<vmem>>, vector<1x16x224x3xbf16>
    %get3A_11 = vector.shape_cast %get3A_10 : vector<1x16x224x3xbf16> to vector<16x224x3xbf16>
    %get3A_12 = arith.constant 0 : index
    %get3A_13 = arith.constant 0 : index
    %get3A_14 = arith.constant 0 : index
    %get3A_15 = arith.constant 0 : index
    %get3A_16 = arith.constant 0 : index
    %get3A_17 = vector.load %arg4[%get3A_12, %get3A_13, %get3A_14, %get3A_15, %get3A_16] : memref<1x1x1x224x3xbf16, #tpu.memory_space<vmem>>, vector<1x1x1x224x3xbf16>
    %get3A_18 = vector.shape_cast %get3A_17 : vector<1x1x1x224x3xbf16> to vector<1x224x3xbf16>
    %concatenate3A = tpu.concatenate %get3A_5, %get3A_11, %get3A_18 in 0 : vector<1x224x3xbf16>, vector<16x224x3xbf16>, vector<1x224x3xbf16> -> vector<18x224x3xbf16>
    %broadcast_in_dim3A = arith.constant 0.000000e+00 : bf16
    %broadcast_in_dim3A_19 = vector.broadcast %broadcast_in_dim3A : bf16 to vector<18x1x3xbf16>
    %concatenate3A_20 = tpu.concatenate %broadcast_in_dim3A_19, %concatenate3A, %broadcast_in_dim3A_19 in 1 : vector<18x1x3xbf16>, vector<18x224x3xbf16>, vector<18x1x3xbf16> -> vector<18x226x3xbf16>
    %slice3A = vector.extract_strided_slice %concatenate3A_20 {offsets = [0, 0, 0], sizes = [16, 224, 3], strides = [1, 1, 1]} : vector<18x226x3xbf16> to vector<16x224x3xbf16>
    %slice3A_21 = vector.extract_strided_slice %concatenate3A_20 {offsets = [0, 1, 0], sizes = [16, 224, 3], strides = [1, 1, 1]} : vector<18x226x3xbf16> to vector<16x224x3xbf16>
    %slice3A_22 = vector.extract_strided_slice %concatenate3A_20 {offsets = [0, 2, 0], sizes = [16, 224, 3], strides = [1, 1, 1]} : vector<18x226x3xbf16> to vector<16x224x3xbf16>
    %slice3A_23 = vector.extract_strided_slice %concatenate3A_20 {offsets = [1, 0, 0], sizes = [16, 224, 3], strides = [1, 1, 1]} : vector<18x226x3xbf16> to vector<16x224x3xbf16>
    %slice3A_24 = vector.extract_strided_slice %concatenate3A_20 {offsets = [1, 1, 0], sizes = [16, 224, 3], strides = [1, 1, 1]} : vector<18x226x3xbf16> to vector<16x224x3xbf16>
    %slice3A_25 = vector.extract_strided_slice %concatenate3A_20 {offsets = [1, 2, 0], sizes = [16, 224, 3], strides = [1, 1, 1]} : vector<18x226x3xbf16> to vector<16x224x3xbf16>
    %slice3A_26 = vector.extract_strided_slice %concatenate3A_20 {offsets = [2, 0, 0], sizes = [16, 224, 3], strides = [1, 1, 1]} : vector<18x226x3xbf16> to vector<16x224x3xbf16>
    %slice3A_27 = vector.extract_strided_slice %concatenate3A_20 {offsets = [2, 1, 0], sizes = [16, 224, 3], strides = [1, 1, 1]} : vector<18x226x3xbf16> to vector<16x224x3xbf16>
    %slice3A_28 = vector.extract_strided_slice %concatenate3A_20 {offsets = [2, 2, 0], sizes = [16, 224, 3], strides = [1, 1, 1]} : vector<18x226x3xbf16> to vector<16x224x3xbf16>
    %concatenate3A_29 = tpu.concatenate %slice3A, %slice3A_21, %slice3A_22, %slice3A_23, %slice3A_24, %slice3A_25, %slice3A_26, %slice3A_27, %slice3A_28 in 2 : vector<16x224x3xbf16>, vector<16x224x3xbf16>, vector<16x224x3xbf16>, vector<16x224x3xbf16>, vector<16x224x3xbf16>, vector<16x224x3xbf16>, vector<16x224x3xbf16>, vector<16x224x3xbf16>, vector<16x224x3xbf16> -> vector<16x224x27xbf16>
    %reshape3A = vector.shape_cast %concatenate3A_29 : vector<16x224x27xbf16> to vector<3584x27xbf16>
    %get3A_30 = arith.constant 0 : index
    %get3A_31 = arith.constant 0 : index
    %get3A_32 = vector.load %arg5[%get3A_30, %get3A_31] : memref<27x192xbf16, #tpu.memory_space<vmem>>, vector<27x192xbf16>
    %dot_general3A = arith.constant dense<0.000000e+00> : vector<3584x192xf32>
    %dot_general3A_33 = tpu.matmul %reshape3A, %get3A_32, %dot_general3A {dimension_numbers = #tpu.dot_dimension_numbers<[1], [0], [0], [1], [0, 0, 1, 1], [], []>, transpose_lhs_hint = false} : vector<3584x27xbf16>, vector<27x192xbf16>, vector<3584x192xf32> -> vector<3584x192xf32>
    %get3A_34 = arith.constant 0 : index
    %get3A_35 = arith.constant 0 : index
    %get3A_36 = vector.load %arg6[%get3A_34, %get3A_35] : memref<1x192xf32, #tpu.memory_space<vmem>>, vector<1x192xf32>
    %get3A_37 = vector.shape_cast %get3A_36 : vector<1x192xf32> to vector<192xf32>
    %broadcast_in_dim3A_38 = vector.shape_cast %get3A_37 : vector<192xf32> to vector<1x192xf32>
    %add3A = vector.broadcast %broadcast_in_dim3A_38 : vector<1x192xf32> to vector<3584x192xf32>
    %add3A_39 = arith.addf %dot_general3A_33, %add3A : vector<3584x192xf32>
    %max3A = arith.constant 0.000000e+00 : f32
    %max3A_40 = vector.broadcast %max3A : f32 to vector<3584x192xf32>
    %max3A_41 = arith.maximumf %add3A_39, %max3A_40 : vector<3584x192xf32>
    %reshape3A_42 = vector.shape_cast %max3A_41 : vector<3584x192xf32> to vector<16x224x192xf32>
    %convert_element_type3A = arith.truncf %reshape3A_42 : vector<16x224x192xf32> to vector<16x224x192xbf16>
    %swap3A = arith.constant 0 : index
    %swap3A_43 = arith.constant 0 : index
    %swap3A_44 = arith.constant 0 : index
    %swap3A_45 = arith.constant 0 : index
    %swap3A_46 = vector.load %arg7[%swap3A, %swap3A_43, %swap3A_44, %swap3A_45] : memref<1x16x224x192xbf16, #tpu.memory_space<vmem>>, vector<1x16x224x192xbf16>
    %swap3A_47 = vector.shape_cast %swap3A_46 : vector<1x16x224x192xbf16> to vector<16x224x192xbf16>
    %swap3A_48 = vector.shape_cast %convert_element_type3A : vector<16x224x192xbf16> to vector<1x16x224x192xbf16>
    tpu.vector_store %arg7[%swap3A, %swap3A_43, %swap3A_44, %swap3A_45], %swap3A_48 {strides = array<i32>} : memref<1x16x224x192xbf16, #tpu.memory_space<vmem>>, vector<1x16x224x192xbf16>,
    return
  }
  func.func @transform_0(%arg0: i32, %arg1: i32) -> (i32, i32, i32, i32) {
    %c0_i32 = arith.constant 0 : i32
    %c0_i32_0 = arith.constant 0 : i32
    %c0_i32_1 = arith.constant 0 : i32
    return %arg0, %arg1, %c0_i32, %c0_i32_0 : i32, i32, i32, i32
  }
  func.func @transform_1(%arg0: i32, %arg1: i32) -> (i32, i32, i32, i32, i32) {
    %c0_i32 = arith.constant 0 : i32
    %c0_i32_0 = arith.constant 0 : i32
    %c0_i32_1 = arith.constant 0 : i32
    %c0_i32_2 = arith.constant 0 : i32
    return %arg0, %arg1, %c0_i32, %c0_i32_0, %c0_i32_1 : i32, i32, i32, i32, i32
  }
  func.func @transform_2(%arg0: i32, %arg1: i32) -> (i32, i32, i32, i32, i32) {
    %c0_i32 = arith.constant 0 : i32
    %c0_i32_0 = arith.constant 0 : i32
    %c0_i32_1 = arith.constant 0 : i32
    %c0_i32_2 = arith.constant 0 : i32
    return %arg0, %arg1, %c0_i32, %c0_i32_0, %c0_i32_1 : i32, i32, i32, i32, i32
  }
  func.func @transform_3(%arg0: i32, %arg1: i32) -> (i32, i32) {
    %c0_i32 = arith.constant 0 : i32
    %c0_i32_0 = arith.constant 0 : i32
    %c0_i32_1 = arith.constant 0 : i32
    return %c0_i32, %c0_i32_0 : i32, i32
  }
  func.func @transform_4(%arg0: i32, %arg1: i32) -> (i32, i32) {
    %c0_i32 = arith.constant 0 : i32
    %c0_i32_0 = arith.constant 0 : i32
    %c0_i32_1 = arith.constant 0 : i32
    return %c0_i32, %c0_i32_0 : i32, i32
  }
  func.func @transform_5(%arg0: i32, %arg1: i32) -> (i32, i32, i32, i32) {
    %c0_i32 = arith.constant 0 : i32
    %c0_i32_0 = arith.constant 0 : i32
    %c0_i32_1 = arith.constant 0 : i32
    return %arg0, %arg1, %c0_i32, %c0_i32_0 : i32, i32, i32, i32
  }
}

module attributes {stable_mosaic.version = 14 : i64} {
  func.func @body(%arg0: i32, %arg1: i32, %arg2: memref<1x8x224x192xbf16, #tpu.memory_space<vmem>>, %arg3: memref<1x1x1x224x192xbf16, #tpu.memory_space<vmem>>, %arg4: memref<1x1x1x224x192xbf16, #tpu.memory_space<vmem>>, %arg5: memref<9x192x64xbf16, #tpu.memory_space<vmem>>, %arg6: memref<1x64xf32, #tpu.memory_space<vmem>>, %arg7: memref<1x8x224x64xf32, #tpu.memory_space<vmem>>) attributes {dimension_semantics = [#tpu.dimension_semantics<arbitrary>, #tpu.dimension_semantics<arbitrary>], iteration_bounds = array<i64: 4, 28>, scalar_prefetch = 0 : i64, scratch_operands = 0 : i64, tpu.core_type = #tpu.core_type<tc>, window_params = [{transform_indices = @transform_0, window_bounds = array<i64: 1, 8, 224, 192>}, {transform_indices = @transform_1, window_bounds = array<i64: 1, 1, 1, 224, 192>}, {transform_indices = @transform_2, window_bounds = array<i64: 1, 1, 1, 224, 192>}, {pipeline_mode = #tpu.pipeline_mode<synchronous>, transform_indices = @transform_3, window_bounds = array<i64: 9, 192, 64>}, {pipeline_mode = #tpu.pipeline_mode<synchronous>, transform_indices = @transform_4, window_bounds = array<i64: 1, 64>}, {transform_indices = @transform_5, window_bounds = array<i64: 1, 8, 224, 64>}]} {
    %get3A = arith.constant 0 : index
    %get3A_0 = arith.constant 0 : index
    %get3A_1 = arith.constant 0 : index
    %get3A_2 = arith.constant 0 : index
    %get3A_3 = arith.constant 0 : index
    %get3A_4 = vector.load %arg3[%get3A, %get3A_0, %get3A_1, %get3A_2, %get3A_3] : memref<1x1x1x224x192xbf16, #tpu.memory_space<vmem>>, vector<1x1x1x224x192xbf16>
    %get3A_5 = vector.shape_cast %get3A_4 : vector<1x1x1x224x192xbf16> to vector<1x224x192xbf16>
    %get3A_6 = arith.constant 0 : index
    %get3A_7 = arith.constant 0 : index
    %get3A_8 = arith.constant 0 : index
    %get3A_9 = arith.constant 0 : index
    %get3A_10 = vector.load %arg2[%get3A_6, %get3A_7, %get3A_8, %get3A_9] : memref<1x8x224x192xbf16, #tpu.memory_space<vmem>>, vector<1x8x224x192xbf16>
    %get3A_11 = vector.shape_cast %get3A_10 : vector<1x8x224x192xbf16> to vector<8x224x192xbf16>
    %get3A_12 = arith.constant 0 : index
    %get3A_13 = arith.constant 0 : index
    %get3A_14 = arith.constant 0 : index
    %get3A_15 = arith.constant 0 : index
    %get3A_16 = arith.constant 0 : index
    %get3A_17 = vector.load %arg4[%get3A_12, %get3A_13, %get3A_14, %get3A_15, %get3A_16] : memref<1x1x1x224x192xbf16, #tpu.memory_space<vmem>>, vector<1x1x1x224x192xbf16>
    %get3A_18 = vector.shape_cast %get3A_17 : vector<1x1x1x224x192xbf16> to vector<1x224x192xbf16>
    %concatenate3A = tpu.concatenate %get3A_5, %get3A_11, %get3A_18 in 0 : vector<1x224x192xbf16>, vector<8x224x192xbf16>, vector<1x224x192xbf16> -> vector<10x224x192xbf16>
    %broadcast_in_dim3A = arith.constant 0.000000e+00 : bf16
    %broadcast_in_dim3A_19 = vector.broadcast %broadcast_in_dim3A : bf16 to vector<10x1x192xbf16>
    %concatenate3A_20 = tpu.concatenate %broadcast_in_dim3A_19, %concatenate3A, %broadcast_in_dim3A_19 in 1 : vector<10x1x192xbf16>, vector<10x224x192xbf16>, vector<10x1x192xbf16> -> vector<10x226x192xbf16>
    %broadcast_in_dim3A_21 = arith.constant 0.000000e+00 : f32
    %broadcast_in_dim3A_22 = vector.broadcast %broadcast_in_dim3A_21 : f32 to vector<1792x64xf32>
    %slice3A = vector.extract_strided_slice %concatenate3A_20 {offsets = [0, 0, 0], sizes = [8, 224, 192], strides = [1, 1, 1]} : vector<10x226x192xbf16> to vector<8x224x192xbf16>
    %reshape3A = vector.shape_cast %slice3A : vector<8x224x192xbf16> to vector<1792x192xbf16>
    %get3A_23 = arith.constant 0 : index
    %get3A_24 = arith.constant 0 : index
    %get3A_25 = arith.constant 0 : index
    %get3A_26 = vector.load %arg5[%get3A_23, %get3A_24, %get3A_25] : memref<9x192x64xbf16, #tpu.memory_space<vmem>>, vector<1x192x64xbf16>
    %get3A_27 = vector.shape_cast %get3A_26 : vector<1x192x64xbf16> to vector<192x64xbf16>
    %dot_general3A = arith.constant dense<0.000000e+00> : vector<1792x64xf32>
    %dot_general3A_28 = tpu.matmul %reshape3A, %get3A_27, %dot_general3A {dimension_numbers = #tpu.dot_dimension_numbers<[1], [0], [0], [1], [0, 0, 1, 1], [], []>, transpose_lhs_hint = false} : vector<1792x192xbf16>, vector<192x64xbf16>, vector<1792x64xf32> -> vector<1792x64xf32>
    %add3A = arith.addf %broadcast_in_dim3A_22, %dot_general3A_28 : vector<1792x64xf32>
    %slice3A_29 = vector.extract_strided_slice %concatenate3A_20 {offsets = [0, 1, 0], sizes = [8, 224, 192], strides = [1, 1, 1]} : vector<10x226x192xbf16> to vector<8x224x192xbf16>
    %reshape3A_30 = vector.shape_cast %slice3A_29 : vector<8x224x192xbf16> to vector<1792x192xbf16>
    %get3A_31 = arith.constant 1 : index
    %get3A_32 = arith.constant 0 : index
    %get3A_33 = arith.constant 0 : index
    %get3A_34 = vector.load %arg5[%get3A_31, %get3A_32, %get3A_33] : memref<9x192x64xbf16, #tpu.memory_space<vmem>>, vector<1x192x64xbf16>
    %get3A_35 = vector.shape_cast %get3A_34 : vector<1x192x64xbf16> to vector<192x64xbf16>
    %dot_general3A_36 = arith.constant dense<0.000000e+00> : vector<1792x64xf32>
    %dot_general3A_37 = tpu.matmul %reshape3A_30, %get3A_35, %dot_general3A_36 {dimension_numbers = #tpu.dot_dimension_numbers<[1], [0], [0], [1], [0, 0, 1, 1], [], []>, transpose_lhs_hint = false} : vector<1792x192xbf16>, vector<192x64xbf16>, vector<1792x64xf32> -> vector<1792x64xf32>
    %add3A_38 = arith.addf %add3A, %dot_general3A_37 : vector<1792x64xf32>
    %slice3A_39 = vector.extract_strided_slice %concatenate3A_20 {offsets = [0, 2, 0], sizes = [8, 224, 192], strides = [1, 1, 1]} : vector<10x226x192xbf16> to vector<8x224x192xbf16>
    %reshape3A_40 = vector.shape_cast %slice3A_39 : vector<8x224x192xbf16> to vector<1792x192xbf16>
    %get3A_41 = arith.constant 2 : index
    %get3A_42 = arith.constant 0 : index
    %get3A_43 = arith.constant 0 : index
    %get3A_44 = vector.load %arg5[%get3A_41, %get3A_42, %get3A_43] : memref<9x192x64xbf16, #tpu.memory_space<vmem>>, vector<1x192x64xbf16>
    %get3A_45 = vector.shape_cast %get3A_44 : vector<1x192x64xbf16> to vector<192x64xbf16>
    %dot_general3A_46 = arith.constant dense<0.000000e+00> : vector<1792x64xf32>
    %dot_general3A_47 = tpu.matmul %reshape3A_40, %get3A_45, %dot_general3A_46 {dimension_numbers = #tpu.dot_dimension_numbers<[1], [0], [0], [1], [0, 0, 1, 1], [], []>, transpose_lhs_hint = false} : vector<1792x192xbf16>, vector<192x64xbf16>, vector<1792x64xf32> -> vector<1792x64xf32>
    %add3A_48 = arith.addf %add3A_38, %dot_general3A_47 : vector<1792x64xf32>
    %slice3A_49 = vector.extract_strided_slice %concatenate3A_20 {offsets = [1, 0, 0], sizes = [8, 224, 192], strides = [1, 1, 1]} : vector<10x226x192xbf16> to vector<8x224x192xbf16>
    %reshape3A_50 = vector.shape_cast %slice3A_49 : vector<8x224x192xbf16> to vector<1792x192xbf16>
    %get3A_51 = arith.constant 3 : index
    %get3A_52 = arith.constant 0 : index
    %get3A_53 = arith.constant 0 : index
    %get3A_54 = vector.load %arg5[%get3A_51, %get3A_52, %get3A_53] : memref<9x192x64xbf16, #tpu.memory_space<vmem>>, vector<1x192x64xbf16>
    %get3A_55 = vector.shape_cast %get3A_54 : vector<1x192x64xbf16> to vector<192x64xbf16>
    %dot_general3A_56 = arith.constant dense<0.000000e+00> : vector<1792x64xf32>
    %dot_general3A_57 = tpu.matmul %reshape3A_50, %get3A_55, %dot_general3A_56 {dimension_numbers = #tpu.dot_dimension_numbers<[1], [0], [0], [1], [0, 0, 1, 1], [], []>, transpose_lhs_hint = false} : vector<1792x192xbf16>, vector<192x64xbf16>, vector<1792x64xf32> -> vector<1792x64xf32>
    %add3A_58 = arith.addf %add3A_48, %dot_general3A_57 : vector<1792x64xf32>
    %slice3A_59 = vector.extract_strided_slice %concatenate3A_20 {offsets = [1, 1, 0], sizes = [8, 224, 192], strides = [1, 1, 1]} : vector<10x226x192xbf16> to vector<8x224x192xbf16>
    %reshape3A_60 = vector.shape_cast %slice3A_59 : vector<8x224x192xbf16> to vector<1792x192xbf16>
    %get3A_61 = arith.constant 4 : index
    %get3A_62 = arith.constant 0 : index
    %get3A_63 = arith.constant 0 : index
    %get3A_64 = vector.load %arg5[%get3A_61, %get3A_62, %get3A_63] : memref<9x192x64xbf16, #tpu.memory_space<vmem>>, vector<1x192x64xbf16>
    %get3A_65 = vector.shape_cast %get3A_64 : vector<1x192x64xbf16> to vector<192x64xbf16>
    %dot_general3A_66 = arith.constant dense<0.000000e+00> : vector<1792x64xf32>
    %dot_general3A_67 = tpu.matmul %reshape3A_60, %get3A_65, %dot_general3A_66 {dimension_numbers = #tpu.dot_dimension_numbers<[1], [0], [0], [1], [0, 0, 1, 1], [], []>, transpose_lhs_hint = false} : vector<1792x192xbf16>, vector<192x64xbf16>, vector<1792x64xf32> -> vector<1792x64xf32>
    %add3A_68 = arith.addf %add3A_58, %dot_general3A_67 : vector<1792x64xf32>
    %slice3A_69 = vector.extract_strided_slice %concatenate3A_20 {offsets = [1, 2, 0], sizes = [8, 224, 192], strides = [1, 1, 1]} : vector<10x226x192xbf16> to vector<8x224x192xbf16>
    %reshape3A_70 = vector.shape_cast %slice3A_69 : vector<8x224x192xbf16> to vector<1792x192xbf16>
    %get3A_71 = arith.constant 5 : index
    %get3A_72 = arith.constant 0 : index
    %get3A_73 = arith.constant 0 : index
    %get3A_74 = vector.load %arg5[%get3A_71, %get3A_72, %get3A_73] : memref<9x192x64xbf16, #tpu.memory_space<vmem>>, vector<1x192x64xbf16>
    %get3A_75 = vector.shape_cast %get3A_74 : vector<1x192x64xbf16> to vector<192x64xbf16>
    %dot_general3A_76 = arith.constant dense<0.000000e+00> : vector<1792x64xf32>
    %dot_general3A_77 = tpu.matmul %reshape3A_70, %get3A_75, %dot_general3A_76 {dimension_numbers = #tpu.dot_dimension_numbers<[1], [0], [0], [1], [0, 0, 1, 1], [], []>, transpose_lhs_hint = false} : vector<1792x192xbf16>, vector<192x64xbf16>, vector<1792x64xf32> -> vector<1792x64xf32>
    %add3A_78 = arith.addf %add3A_68, %dot_general3A_77 : vector<1792x64xf32>
    %slice3A_79 = vector.extract_strided_slice %concatenate3A_20 {offsets = [2, 0, 0], sizes = [8, 224, 192], strides = [1, 1, 1]} : vector<10x226x192xbf16> to vector<8x224x192xbf16>
    %reshape3A_80 = vector.shape_cast %slice3A_79 : vector<8x224x192xbf16> to vector<1792x192xbf16>
    %get3A_81 = arith.constant 6 : index
    %get3A_82 = arith.constant 0 : index
    %get3A_83 = arith.constant 0 : index
    %get3A_84 = vector.load %arg5[%get3A_81, %get3A_82, %get3A_83] : memref<9x192x64xbf16, #tpu.memory_space<vmem>>, vector<1x192x64xbf16>
    %get3A_85 = vector.shape_cast %get3A_84 : vector<1x192x64xbf16> to vector<192x64xbf16>
    %dot_general3A_86 = arith.constant dense<0.000000e+00> : vector<1792x64xf32>
    %dot_general3A_87 = tpu.matmul %reshape3A_80, %get3A_85, %dot_general3A_86 {dimension_numbers = #tpu.dot_dimension_numbers<[1], [0], [0], [1], [0, 0, 1, 1], [], []>, transpose_lhs_hint = false} : vector<1792x192xbf16>, vector<192x64xbf16>, vector<1792x64xf32> -> vector<1792x64xf32>
    %add3A_88 = arith.addf %add3A_78, %dot_general3A_87 : vector<1792x64xf32>
    %slice3A_89 = vector.extract_strided_slice %concatenate3A_20 {offsets = [2, 1, 0], sizes = [8, 224, 192], strides = [1, 1, 1]} : vector<10x226x192xbf16> to vector<8x224x192xbf16>
    %reshape3A_90 = vector.shape_cast %slice3A_89 : vector<8x224x192xbf16> to vector<1792x192xbf16>
    %get3A_91 = arith.constant 7 : index
    %get3A_92 = arith.constant 0 : index
    %get3A_93 = arith.constant 0 : index
    %get3A_94 = vector.load %arg5[%get3A_91, %get3A_92, %get3A_93] : memref<9x192x64xbf16, #tpu.memory_space<vmem>>, vector<1x192x64xbf16>
    %get3A_95 = vector.shape_cast %get3A_94 : vector<1x192x64xbf16> to vector<192x64xbf16>
    %dot_general3A_96 = arith.constant dense<0.000000e+00> : vector<1792x64xf32>
    %dot_general3A_97 = tpu.matmul %reshape3A_90, %get3A_95, %dot_general3A_96 {dimension_numbers = #tpu.dot_dimension_numbers<[1], [0], [0], [1], [0, 0, 1, 1], [], []>, transpose_lhs_hint = false} : vector<1792x192xbf16>, vector<192x64xbf16>, vector<1792x64xf32> -> vector<1792x64xf32>
    %add3A_98 = arith.addf %add3A_88, %dot_general3A_97 : vector<1792x64xf32>
    %slice3A_99 = vector.extract_strided_slice %concatenate3A_20 {offsets = [2, 2, 0], sizes = [8, 224, 192], strides = [1, 1, 1]} : vector<10x226x192xbf16> to vector<8x224x192xbf16>
    %reshape3A_100 = vector.shape_cast %slice3A_99 : vector<8x224x192xbf16> to vector<1792x192xbf16>
    %get3A_101 = arith.constant 8 : index
    %get3A_102 = arith.constant 0 : index
    %get3A_103 = arith.constant 0 : index
    %get3A_104 = vector.load %arg5[%get3A_101, %get3A_102, %get3A_103] : memref<9x192x64xbf16, #tpu.memory_space<vmem>>, vector<1x192x64xbf16>
    %get3A_105 = vector.shape_cast %get3A_104 : vector<1x192x64xbf16> to vector<192x64xbf16>
    %dot_general3A_106 = arith.constant dense<0.000000e+00> : vector<1792x64xf32>
    %dot_general3A_107 = tpu.matmul %reshape3A_100, %get3A_105, %dot_general3A_106 {dimension_numbers = #tpu.dot_dimension_numbers<[1], [0], [0], [1], [0, 0, 1, 1], [], []>, transpose_lhs_hint = false} : vector<1792x192xbf16>, vector<192x64xbf16>, vector<1792x64xf32> -> vector<1792x64xf32>
    %add3A_108 = arith.addf %add3A_98, %dot_general3A_107 : vector<1792x64xf32>
    %get3A_109 = arith.constant 0 : index
    %get3A_110 = arith.constant 0 : index
    %get3A_111 = vector.load %arg6[%get3A_109, %get3A_110] : memref<1x64xf32, #tpu.memory_space<vmem>>, vector<1x64xf32>
    %get3A_112 = vector.shape_cast %get3A_111 : vector<1x64xf32> to vector<64xf32>
    %broadcast_in_dim3A_113 = vector.shape_cast %get3A_112 : vector<64xf32> to vector<1x64xf32>
    %add3A_114 = vector.broadcast %broadcast_in_dim3A_113 : vector<1x64xf32> to vector<1792x64xf32>
    %add3A_115 = arith.addf %add3A_108, %add3A_114 : vector<1792x64xf32>
    %max3A = arith.constant 0.000000e+00 : f32
    %max3A_116 = vector.broadcast %max3A : f32 to vector<1792x64xf32>
    %max3A_117 = arith.maximumf %add3A_115, %max3A_116 : vector<1792x64xf32>
    %reshape3A_118 = vector.shape_cast %max3A_117 : vector<1792x64xf32> to vector<8x224x64xf32>
    %swap3A = arith.constant 0 : index
    %swap3A_119 = arith.constant 0 : index
    %swap3A_120 = arith.constant 0 : index
    %swap3A_121 = arith.constant 0 : index
    %swap3A_122 = vector.load %arg7[%swap3A, %swap3A_119, %swap3A_120, %swap3A_121] : memref<1x8x224x64xf32, #tpu.memory_space<vmem>>, vector<1x8x224x64xf32>
    %swap3A_123 = vector.shape_cast %swap3A_122 : vector<1x8x224x64xf32> to vector<8x224x64xf32>
    %swap3A_124 = vector.shape_cast %reshape3A_118 : vector<8x224x64xf32> to vector<1x8x224x64xf32>
    tpu.vector_store %arg7[%swap3A, %swap3A_119, %swap3A_120, %swap3A_121], %swap3A_124 {strides = array<i32>} : memref<1x8x224x64xf32, #tpu.memory_space<vmem>>, vector<1x8x224x64xf32>,
    return
  }
  func.func @transform_0(%arg0: i32, %arg1: i32) -> (i32, i32, i32, i32) {
    %c0_i32 = arith.constant 0 : i32
    %c0_i32_0 = arith.constant 0 : i32
    %c0_i32_1 = arith.constant 0 : i32
    return %arg0, %arg1, %c0_i32, %c0_i32_0 : i32, i32, i32, i32
  }
  func.func @transform_1(%arg0: i32, %arg1: i32) -> (i32, i32, i32, i32, i32) {
    %c0_i32 = arith.constant 0 : i32
    %c0_i32_0 = arith.constant 0 : i32
    %c0_i32_1 = arith.constant 0 : i32
    %c0_i32_2 = arith.constant 0 : i32
    return %arg0, %arg1, %c0_i32, %c0_i32_0, %c0_i32_1 : i32, i32, i32, i32, i32
  }
  func.func @transform_2(%arg0: i32, %arg1: i32) -> (i32, i32, i32, i32, i32) {
    %c0_i32 = arith.constant 0 : i32
    %c0_i32_0 = arith.constant 0 : i32
    %c0_i32_1 = arith.constant 0 : i32
    %c0_i32_2 = arith.constant 0 : i32
    return %arg0, %arg1, %c0_i32, %c0_i32_0, %c0_i32_1 : i32, i32, i32, i32, i32
  }
  func.func @transform_3(%arg0: i32, %arg1: i32) -> (i32, i32, i32) {
    %c0_i32 = arith.constant 0 : i32
    %c0_i32_0 = arith.constant 0 : i32
    %c0_i32_1 = arith.constant 0 : i32
    %c0_i32_2 = arith.constant 0 : i32
    return %c0_i32, %c0_i32_0, %c0_i32_1 : i32, i32, i32
  }
  func.func @transform_4(%arg0: i32, %arg1: i32) -> (i32, i32) {
    %c0_i32 = arith.constant 0 : i32
    %c0_i32_0 = arith.constant 0 : i32
    %c0_i32_1 = arith.constant 0 : i32
    return %c0_i32, %c0_i32_0 : i32, i32
  }
  func.func @transform_5(%arg0: i32, %arg1: i32) -> (i32, i32, i32, i32) {
    %c0_i32 = arith.constant 0 : i32
    %c0_i32_0 = arith.constant 0 : i32
    %c0_i32_1 = arith.constant 0 : i32
    return %arg0, %arg1, %c0_i32, %c0_i32_0 : i32, i32, i32, i32
  }
}

module attributes {stable_mosaic.version = 14 : i64} {
  func.func @body(%arg0: i32, %arg1: memref<2048x64xf32, #tpu.memory_space<vmem>>, %arg2: memref<1024x64xf32, #tpu.memory_space<vmem>>, %arg3: memref<1x1x2048xi32, #tpu.memory_space<vmem>>, %arg4: memref<1x1xf32, #tpu.memory_space<vmem>>) attributes {dimension_semantics = [#tpu.dimension_semantics<arbitrary>], iteration_bounds = array<i64: 98>, scalar_prefetch = 0 : i64, scratch_operands = 0 : i64, tpu.core_type = #tpu.core_type<tc>, window_params = [{transform_indices = @transform_0, window_bounds = array<i64: 2048, 64>}, {pipeline_mode = #tpu.pipeline_mode<synchronous>, transform_indices = @transform_1, window_bounds = array<i64: 1024, 64>}, {transform_indices = @transform_2, window_bounds = array<i64: 1, 1, 2048>}, {pipeline_mode = #tpu.pipeline_mode<synchronous>, transform_indices = @transform_3, window_bounds = array<i64: 1, 1>}]} {
    %get3A = arith.constant 0 : index
    %get3A_0 = arith.constant 0 : index
    %get3A_1 = vector.load %arg1[%get3A, %get3A_0] : memref<2048x64xf32, #tpu.memory_space<vmem>>, vector<2048x64xf32>
    %get3A_2 = arith.constant 0 : index
    %get3A_3 = arith.constant 0 : index
    %get3A_4 = vector.load %arg2[%get3A_2, %get3A_3] : memref<1024x64xf32, #tpu.memory_space<vmem>>, vector<1024x64xf32>
    %reshape3A = vector.shape_cast %get3A_1 : vector<2048x64xf32> to vector<32x64x64xf32>
    %transpose3A = tpu.transpose %reshape3A, [0, 2, 1] : vector<32x64x64xf32> -> vector<32x64x64xf32>
    %reshape3A_5 = vector.shape_cast %transpose3A : vector<32x64x64xf32> to vector<2048x64xf32>
    %convert_element_type3A = arith.truncf %reshape3A_5 : vector<2048x64xf32> to vector<2048x64xbf16>
    %convert_element_type3A_6 = arith.extf %convert_element_type3A : vector<2048x64xbf16> to vector<2048x64xf32>
    %sub3A = arith.subf %reshape3A_5, %convert_element_type3A_6 : vector<2048x64xf32>
    %convert_element_type3A_7 = arith.truncf %sub3A : vector<2048x64xf32> to vector<2048x64xbf16>
    %convert_element_type3A_8 = arith.truncf %get3A_4 : vector<1024x64xf32> to vector<1024x64xbf16>
    %convert_element_type3A_9 = arith.extf %convert_element_type3A_8 : vector<1024x64xbf16> to vector<1024x64xf32>
    %sub3A_10 = arith.subf %get3A_4, %convert_element_type3A_9 : vector<1024x64xf32>
    %convert_element_type3A_11 = arith.truncf %sub3A_10 : vector<1024x64xf32> to vector<1024x64xbf16>
    %dot_general3A = arith.constant dense<0.000000e+00> : vector<2048x1024xf32>
    %dot_general3A_12 = tpu.matmul %convert_element_type3A, %convert_element_type3A_8, %dot_general3A {dimension_numbers = #tpu.dot_dimension_numbers<[1], [1], [0], [0], [0, 0, 1, 0], [], []>, transpose_lhs_hint = false} : vector<2048x64xbf16>, vector<1024x64xbf16>, vector<2048x1024xf32> -> vector<2048x1024xf32>
    %dot_general3A_13 = arith.constant dense<0.000000e+00> : vector<2048x1024xf32>
    %dot_general3A_14 = tpu.matmul %convert_element_type3A, %convert_element_type3A_11, %dot_general3A_13 {dimension_numbers = #tpu.dot_dimension_numbers<[1], [1], [0], [0], [0, 0, 1, 0], [], []>, transpose_lhs_hint = false} : vector<2048x64xbf16>, vector<1024x64xbf16>, vector<2048x1024xf32> -> vector<2048x1024xf32>
    %dot_general3A_15 = arith.constant dense<0.000000e+00> : vector<2048x1024xf32>
    %dot_general3A_16 = tpu.matmul %convert_element_type3A_7, %convert_element_type3A_8, %dot_general3A_15 {dimension_numbers = #tpu.dot_dimension_numbers<[1], [1], [0], [0], [0, 0, 1, 0], [], []>, transpose_lhs_hint = false} : vector<2048x64xbf16>, vector<1024x64xbf16>, vector<2048x1024xf32> -> vector<2048x1024xf32>
    %add3A = arith.addf %dot_general3A_14, %dot_general3A_16 : vector<2048x1024xf32>
    %add3A_17 = arith.addf %dot_general3A_12, %add3A : vector<2048x1024xf32>
    %mul3A = arith.mulf %reshape3A_5, %reshape3A_5 : vector<2048x64xf32>
    %reduce_sum3A = arith.constant dense<0.000000e+00> : vector<2048xf32>
    %reduce_sum3A_18 = vector.multi_reduction <add>, %mul3A, %reduce_sum3A [1] : vector<2048x64xf32> to vector<2048xf32>
    %broadcast_in_dim3A = vector.shape_cast %reduce_sum3A_18 : vector<2048xf32> to vector<2048x1xf32>
    %mul3A_19 = arith.mulf %get3A_4, %get3A_4 : vector<1024x64xf32>
    %reduce_sum3A_20 = arith.constant dense<0.000000e+00> : vector<1024xf32>
    %reduce_sum3A_21 = vector.multi_reduction <add>, %mul3A_19, %reduce_sum3A_20 [1] : vector<1024x64xf32> to vector<1024xf32>
    %broadcast_in_dim3A_22 = vector.shape_cast %reduce_sum3A_21 : vector<1024xf32> to vector<1x1024xf32>
    %add3A_23 = vector.broadcast %broadcast_in_dim3A : vector<2048x1xf32> to vector<2048x1024xf32>
    %add3A_24 = vector.broadcast %broadcast_in_dim3A_22 : vector<1x1024xf32> to vector<2048x1024xf32>
    %add3A_25 = arith.addf %add3A_23, %add3A_24 : vector<2048x1024xf32>
    %mul3A_26 = arith.constant 2.000000e+00 : f32
    %mul3A_27 = vector.broadcast %mul3A_26 : f32 to vector<2048x1024xf32>
    %mul3A_28 = arith.mulf %mul3A_27, %add3A_17 : vector<2048x1024xf32>
    %sub3A_29 = arith.subf %add3A_25, %mul3A_28 : vector<2048x1024xf32>
    %reduce_min3A = arith.constant dense<0x7F800000> : vector<2048xf32>
    %reduce_min3A_30 = vector.multi_reduction <minimumf>, %sub3A_29, %reduce_min3A [1] : vector<2048x1024xf32> to vector<2048xf32>
    %broadcast_in_dim3A_31 = vector.shape_cast %reduce_min3A_30 : vector<2048xf32> to vector<2048x1xf32>
    %iota3A = tpu.iota {dimensions = array<i32: 1>} : vector<2048x1024xi32>
    %eq3A = vector.broadcast %broadcast_in_dim3A_31 : vector<2048x1xf32> to vector<2048x1024xf32>
    %eq3A_32 = arith.cmpf oeq, %sub3A_29, %eq3A : vector<2048x1024xf32>
    %jit3A = arith.constant 1024 : i32
    %broadcast_in_dim3A_33 = vector.broadcast %jit3A : i32 to vector<2048x1024xi32>
    %select_n3A = arith.select %eq3A_32, %iota3A, %broadcast_in_dim3A_33 : vector<2048x1024xi1>, vector<2048x1024xi32>
    %reduce_min3A_34 = arith.constant dense<2147483647> : vector<2048xi32>
    %reduce_min3A_35 = vector.multi_reduction <minsi>, %select_n3A, %reduce_min3A_34 [1] : vector<2048x1024xi32> to vector<2048xi32>
    %swap3A = arith.constant 0 : index
    %swap3A_36 = arith.constant 0 : index
    %swap3A_37 = arith.constant 0 : index
    %swap3A_38 = vector.load %arg3[%swap3A, %swap3A_36, %swap3A_37] : memref<1x1x2048xi32, #tpu.memory_space<vmem>>, vector<1x1x2048xi32>
    %swap3A_39 = vector.shape_cast %swap3A_38 : vector<1x1x2048xi32> to vector<2048xi32>
    %swap3A_40 = vector.shape_cast %reduce_min3A_35 : vector<2048xi32> to vector<1x1x2048xi32>
    tpu.vector_store %arg3[%swap3A, %swap3A_36, %swap3A_37], %swap3A_40 {strides = array<i32>} : memref<1x1x2048xi32, #tpu.memory_space<vmem>>, vector<1x1x2048xi32>,
    %eq3A_41 = arith.constant 0 : i32
    %eq3A_42 = arith.cmpi eq, %arg0, %eq3A_41 : i32
    %convert_element_type3A_43 = arith.extui %eq3A_42 : i1 to i32
    %cond3A = arith.constant 0 : i32
    %cond3A_44 = arith.cmpi ne, %convert_element_type3A_43, %cond3A : i32
    scf.if %cond3A_44 {
      %broadcast_in_dim3A_58 = arith.constant 0.000000e+00 : f32
      %broadcast_in_dim3A_59 = vector.broadcast %broadcast_in_dim3A_58 : f32 to vector<1x1xf32>
      %swap3A_60 = arith.constant 0 : index
      %swap3A_61 = arith.constant 0 : index
      %swap3A_62 = vector.load %arg4[%swap3A_60, %swap3A_61] : memref<1x1xf32, #tpu.memory_space<vmem>>, vector<1x1xf32>
      tpu.vector_store %arg4[%swap3A_60, %swap3A_61], %broadcast_in_dim3A_59 {strides = array<i32>} : memref<1x1xf32, #tpu.memory_space<vmem>>, vector<1x1xf32>,
    } else {
    }
    %get3A_45 = arith.constant 0 : index
    %get3A_46 = arith.constant 0 : index
    %get3A_47 = vector.load %arg4[%get3A_45, %get3A_46] : memref<1x1xf32, #tpu.memory_space<vmem>>, vector<1x1xf32>
    %reduce_sum3A_48 = vector.shape_cast %broadcast_in_dim3A_31 : vector<2048x1xf32> to vector<1x2048x1xf32>
    %reduce_sum3A_49 = arith.constant dense<0.000000e+00> : vector<1xf32>
    %reduce_sum3A_50 = vector.multi_reduction <add>, %reduce_sum3A_48, %reduce_sum3A_49 [1, 2] : vector<1x2048x1xf32> to vector<1xf32>
    %reduce_sum3A_51 = vector.shape_cast %reduce_sum3A_50 : vector<1xf32> to vector<1x1x1xf32>
    %reduce_sum3A_52 = vector.extract %reduce_sum3A_51[0, 0, 0] : f32 from vector<1x1x1xf32>
    %reshape3A_53 = vector.broadcast %reduce_sum3A_52 : f32 to vector<1x1xf32>
    %add3A_54 = arith.addf %get3A_47, %reshape3A_53 : vector<1x1xf32>
    %swap3A_55 = arith.constant 0 : index
    %swap3A_56 = arith.constant 0 : index
    %swap3A_57 = vector.load %arg4[%swap3A_55, %swap3A_56] : memref<1x1xf32, #tpu.memory_space<vmem>>, vector<1x1xf32>
    tpu.vector_store %arg4[%swap3A_55, %swap3A_56], %add3A_54 {strides = array<i32>} : memref<1x1xf32, #tpu.memory_space<vmem>>, vector<1x1xf32>,
    return
  }
  func.func @transform_0(%arg0: i32) -> (i32, i32) {
    %c0_i32 = arith.constant 0 : i32
    %c0_i32_0 = arith.constant 0 : i32
    return %arg0, %c0_i32 : i32, i32
  }
  func.func @transform_1(%arg0: i32) -> (i32, i32) {
    %c0_i32 = arith.constant 0 : i32
    %c0_i32_0 = arith.constant 0 : i32
    %c0_i32_1 = arith.constant 0 : i32
    return %c0_i32, %c0_i32_0 : i32, i32
  }
  func.func @transform_2(%arg0: i32) -> (i32, i32, i32) {
    %c0_i32 = arith.constant 0 : i32
    %c0_i32_0 = arith.constant 0 : i32
    %c0_i32_1 = arith.constant 0 : i32
    return %arg0, %c0_i32, %c0_i32_0 : i32, i32, i32
  }
  func.func @transform_3(%arg0: i32) -> (i32, i32) {
    %c0_i32 = arith.constant 0 : i32
    %c0_i32_0 = arith.constant 0 : i32
    %c0_i32_1 = arith.constant 0 : i32
    return %c0_i32, %c0_i32_0 : i32, i32
  }
}

module attributes {stable_mosaic.version = 14 : i64} {
  func.func @body(%arg0: i32, %arg1: i32, %arg2: memref<1x8x224x64xbf16, #tpu.memory_space<vmem>>, %arg3: memref<1x1x1x224x64xbf16, #tpu.memory_space<vmem>>, %arg4: memref<1x1x1x224x64xbf16, #tpu.memory_space<vmem>>, %arg5: memref<9x64x192xbf16, #tpu.memory_space<vmem>>, %arg6: memref<1x192xf32, #tpu.memory_space<vmem>>, %arg7: memref<1x8x224x192xbf16, #tpu.memory_space<vmem>>) attributes {dimension_semantics = [#tpu.dimension_semantics<arbitrary>, #tpu.dimension_semantics<arbitrary>], iteration_bounds = array<i64: 4, 28>, scalar_prefetch = 0 : i64, scratch_operands = 0 : i64, tpu.core_type = #tpu.core_type<tc>, window_params = [{transform_indices = @transform_0, window_bounds = array<i64: 1, 8, 224, 64>}, {transform_indices = @transform_1, window_bounds = array<i64: 1, 1, 1, 224, 64>}, {transform_indices = @transform_2, window_bounds = array<i64: 1, 1, 1, 224, 64>}, {pipeline_mode = #tpu.pipeline_mode<synchronous>, transform_indices = @transform_3, window_bounds = array<i64: 9, 64, 192>}, {pipeline_mode = #tpu.pipeline_mode<synchronous>, transform_indices = @transform_4, window_bounds = array<i64: 1, 192>}, {transform_indices = @transform_5, window_bounds = array<i64: 1, 8, 224, 192>}]} {
    %get3A = arith.constant 0 : index
    %get3A_0 = arith.constant 0 : index
    %get3A_1 = arith.constant 0 : index
    %get3A_2 = arith.constant 0 : index
    %get3A_3 = arith.constant 0 : index
    %get3A_4 = vector.load %arg3[%get3A, %get3A_0, %get3A_1, %get3A_2, %get3A_3] : memref<1x1x1x224x64xbf16, #tpu.memory_space<vmem>>, vector<1x1x1x224x64xbf16>
    %get3A_5 = vector.shape_cast %get3A_4 : vector<1x1x1x224x64xbf16> to vector<1x224x64xbf16>
    %get3A_6 = arith.constant 0 : index
    %get3A_7 = arith.constant 0 : index
    %get3A_8 = arith.constant 0 : index
    %get3A_9 = arith.constant 0 : index
    %get3A_10 = vector.load %arg2[%get3A_6, %get3A_7, %get3A_8, %get3A_9] : memref<1x8x224x64xbf16, #tpu.memory_space<vmem>>, vector<1x8x224x64xbf16>
    %get3A_11 = vector.shape_cast %get3A_10 : vector<1x8x224x64xbf16> to vector<8x224x64xbf16>
    %get3A_12 = arith.constant 0 : index
    %get3A_13 = arith.constant 0 : index
    %get3A_14 = arith.constant 0 : index
    %get3A_15 = arith.constant 0 : index
    %get3A_16 = arith.constant 0 : index
    %get3A_17 = vector.load %arg4[%get3A_12, %get3A_13, %get3A_14, %get3A_15, %get3A_16] : memref<1x1x1x224x64xbf16, #tpu.memory_space<vmem>>, vector<1x1x1x224x64xbf16>
    %get3A_18 = vector.shape_cast %get3A_17 : vector<1x1x1x224x64xbf16> to vector<1x224x64xbf16>
    %concatenate3A = tpu.concatenate %get3A_5, %get3A_11, %get3A_18 in 0 : vector<1x224x64xbf16>, vector<8x224x64xbf16>, vector<1x224x64xbf16> -> vector<10x224x64xbf16>
    %broadcast_in_dim3A = arith.constant 0.000000e+00 : bf16
    %broadcast_in_dim3A_19 = vector.broadcast %broadcast_in_dim3A : bf16 to vector<10x1x64xbf16>
    %concatenate3A_20 = tpu.concatenate %broadcast_in_dim3A_19, %concatenate3A, %broadcast_in_dim3A_19 in 1 : vector<10x1x64xbf16>, vector<10x224x64xbf16>, vector<10x1x64xbf16> -> vector<10x226x64xbf16>
    %broadcast_in_dim3A_21 = arith.constant 0.000000e+00 : f32
    %broadcast_in_dim3A_22 = vector.broadcast %broadcast_in_dim3A_21 : f32 to vector<1792x192xf32>
    %slice3A = vector.extract_strided_slice %concatenate3A_20 {offsets = [0, 0, 0], sizes = [8, 224, 64], strides = [1, 1, 1]} : vector<10x226x64xbf16> to vector<8x224x64xbf16>
    %reshape3A = vector.shape_cast %slice3A : vector<8x224x64xbf16> to vector<1792x64xbf16>
    %get3A_23 = arith.constant 0 : index
    %get3A_24 = arith.constant 0 : index
    %get3A_25 = arith.constant 0 : index
    %get3A_26 = vector.load %arg5[%get3A_23, %get3A_24, %get3A_25] : memref<9x64x192xbf16, #tpu.memory_space<vmem>>, vector<1x64x192xbf16>
    %get3A_27 = vector.shape_cast %get3A_26 : vector<1x64x192xbf16> to vector<64x192xbf16>
    %dot_general3A = arith.constant dense<0.000000e+00> : vector<1792x192xf32>
    %dot_general3A_28 = tpu.matmul %reshape3A, %get3A_27, %dot_general3A {dimension_numbers = #tpu.dot_dimension_numbers<[1], [0], [0], [1], [0, 0, 1, 1], [], []>, transpose_lhs_hint = false} : vector<1792x64xbf16>, vector<64x192xbf16>, vector<1792x192xf32> -> vector<1792x192xf32>
    %add3A = arith.addf %broadcast_in_dim3A_22, %dot_general3A_28 : vector<1792x192xf32>
    %slice3A_29 = vector.extract_strided_slice %concatenate3A_20 {offsets = [0, 1, 0], sizes = [8, 224, 64], strides = [1, 1, 1]} : vector<10x226x64xbf16> to vector<8x224x64xbf16>
    %reshape3A_30 = vector.shape_cast %slice3A_29 : vector<8x224x64xbf16> to vector<1792x64xbf16>
    %get3A_31 = arith.constant 1 : index
    %get3A_32 = arith.constant 0 : index
    %get3A_33 = arith.constant 0 : index
    %get3A_34 = vector.load %arg5[%get3A_31, %get3A_32, %get3A_33] : memref<9x64x192xbf16, #tpu.memory_space<vmem>>, vector<1x64x192xbf16>
    %get3A_35 = vector.shape_cast %get3A_34 : vector<1x64x192xbf16> to vector<64x192xbf16>
    %dot_general3A_36 = arith.constant dense<0.000000e+00> : vector<1792x192xf32>
    %dot_general3A_37 = tpu.matmul %reshape3A_30, %get3A_35, %dot_general3A_36 {dimension_numbers = #tpu.dot_dimension_numbers<[1], [0], [0], [1], [0, 0, 1, 1], [], []>, transpose_lhs_hint = false} : vector<1792x64xbf16>, vector<64x192xbf16>, vector<1792x192xf32> -> vector<1792x192xf32>
    %add3A_38 = arith.addf %add3A, %dot_general3A_37 : vector<1792x192xf32>
    %slice3A_39 = vector.extract_strided_slice %concatenate3A_20 {offsets = [0, 2, 0], sizes = [8, 224, 64], strides = [1, 1, 1]} : vector<10x226x64xbf16> to vector<8x224x64xbf16>
    %reshape3A_40 = vector.shape_cast %slice3A_39 : vector<8x224x64xbf16> to vector<1792x64xbf16>
    %get3A_41 = arith.constant 2 : index
    %get3A_42 = arith.constant 0 : index
    %get3A_43 = arith.constant 0 : index
    %get3A_44 = vector.load %arg5[%get3A_41, %get3A_42, %get3A_43] : memref<9x64x192xbf16, #tpu.memory_space<vmem>>, vector<1x64x192xbf16>
    %get3A_45 = vector.shape_cast %get3A_44 : vector<1x64x192xbf16> to vector<64x192xbf16>
    %dot_general3A_46 = arith.constant dense<0.000000e+00> : vector<1792x192xf32>
    %dot_general3A_47 = tpu.matmul %reshape3A_40, %get3A_45, %dot_general3A_46 {dimension_numbers = #tpu.dot_dimension_numbers<[1], [0], [0], [1], [0, 0, 1, 1], [], []>, transpose_lhs_hint = false} : vector<1792x64xbf16>, vector<64x192xbf16>, vector<1792x192xf32> -> vector<1792x192xf32>
    %add3A_48 = arith.addf %add3A_38, %dot_general3A_47 : vector<1792x192xf32>
    %slice3A_49 = vector.extract_strided_slice %concatenate3A_20 {offsets = [1, 0, 0], sizes = [8, 224, 64], strides = [1, 1, 1]} : vector<10x226x64xbf16> to vector<8x224x64xbf16>
    %reshape3A_50 = vector.shape_cast %slice3A_49 : vector<8x224x64xbf16> to vector<1792x64xbf16>
    %get3A_51 = arith.constant 3 : index
    %get3A_52 = arith.constant 0 : index
    %get3A_53 = arith.constant 0 : index
    %get3A_54 = vector.load %arg5[%get3A_51, %get3A_52, %get3A_53] : memref<9x64x192xbf16, #tpu.memory_space<vmem>>, vector<1x64x192xbf16>
    %get3A_55 = vector.shape_cast %get3A_54 : vector<1x64x192xbf16> to vector<64x192xbf16>
    %dot_general3A_56 = arith.constant dense<0.000000e+00> : vector<1792x192xf32>
    %dot_general3A_57 = tpu.matmul %reshape3A_50, %get3A_55, %dot_general3A_56 {dimension_numbers = #tpu.dot_dimension_numbers<[1], [0], [0], [1], [0, 0, 1, 1], [], []>, transpose_lhs_hint = false} : vector<1792x64xbf16>, vector<64x192xbf16>, vector<1792x192xf32> -> vector<1792x192xf32>
    %add3A_58 = arith.addf %add3A_48, %dot_general3A_57 : vector<1792x192xf32>
    %slice3A_59 = vector.extract_strided_slice %concatenate3A_20 {offsets = [1, 1, 0], sizes = [8, 224, 64], strides = [1, 1, 1]} : vector<10x226x64xbf16> to vector<8x224x64xbf16>
    %reshape3A_60 = vector.shape_cast %slice3A_59 : vector<8x224x64xbf16> to vector<1792x64xbf16>
    %get3A_61 = arith.constant 4 : index
    %get3A_62 = arith.constant 0 : index
    %get3A_63 = arith.constant 0 : index
    %get3A_64 = vector.load %arg5[%get3A_61, %get3A_62, %get3A_63] : memref<9x64x192xbf16, #tpu.memory_space<vmem>>, vector<1x64x192xbf16>
    %get3A_65 = vector.shape_cast %get3A_64 : vector<1x64x192xbf16> to vector<64x192xbf16>
    %dot_general3A_66 = arith.constant dense<0.000000e+00> : vector<1792x192xf32>
    %dot_general3A_67 = tpu.matmul %reshape3A_60, %get3A_65, %dot_general3A_66 {dimension_numbers = #tpu.dot_dimension_numbers<[1], [0], [0], [1], [0, 0, 1, 1], [], []>, transpose_lhs_hint = false} : vector<1792x64xbf16>, vector<64x192xbf16>, vector<1792x192xf32> -> vector<1792x192xf32>
    %add3A_68 = arith.addf %add3A_58, %dot_general3A_67 : vector<1792x192xf32>
    %slice3A_69 = vector.extract_strided_slice %concatenate3A_20 {offsets = [1, 2, 0], sizes = [8, 224, 64], strides = [1, 1, 1]} : vector<10x226x64xbf16> to vector<8x224x64xbf16>
    %reshape3A_70 = vector.shape_cast %slice3A_69 : vector<8x224x64xbf16> to vector<1792x64xbf16>
    %get3A_71 = arith.constant 5 : index
    %get3A_72 = arith.constant 0 : index
    %get3A_73 = arith.constant 0 : index
    %get3A_74 = vector.load %arg5[%get3A_71, %get3A_72, %get3A_73] : memref<9x64x192xbf16, #tpu.memory_space<vmem>>, vector<1x64x192xbf16>
    %get3A_75 = vector.shape_cast %get3A_74 : vector<1x64x192xbf16> to vector<64x192xbf16>
    %dot_general3A_76 = arith.constant dense<0.000000e+00> : vector<1792x192xf32>
    %dot_general3A_77 = tpu.matmul %reshape3A_70, %get3A_75, %dot_general3A_76 {dimension_numbers = #tpu.dot_dimension_numbers<[1], [0], [0], [1], [0, 0, 1, 1], [], []>, transpose_lhs_hint = false} : vector<1792x64xbf16>, vector<64x192xbf16>, vector<1792x192xf32> -> vector<1792x192xf32>
    %add3A_78 = arith.addf %add3A_68, %dot_general3A_77 : vector<1792x192xf32>
    %slice3A_79 = vector.extract_strided_slice %concatenate3A_20 {offsets = [2, 0, 0], sizes = [8, 224, 64], strides = [1, 1, 1]} : vector<10x226x64xbf16> to vector<8x224x64xbf16>
    %reshape3A_80 = vector.shape_cast %slice3A_79 : vector<8x224x64xbf16> to vector<1792x64xbf16>
    %get3A_81 = arith.constant 6 : index
    %get3A_82 = arith.constant 0 : index
    %get3A_83 = arith.constant 0 : index
    %get3A_84 = vector.load %arg5[%get3A_81, %get3A_82, %get3A_83] : memref<9x64x192xbf16, #tpu.memory_space<vmem>>, vector<1x64x192xbf16>
    %get3A_85 = vector.shape_cast %get3A_84 : vector<1x64x192xbf16> to vector<64x192xbf16>
    %dot_general3A_86 = arith.constant dense<0.000000e+00> : vector<1792x192xf32>
    %dot_general3A_87 = tpu.matmul %reshape3A_80, %get3A_85, %dot_general3A_86 {dimension_numbers = #tpu.dot_dimension_numbers<[1], [0], [0], [1], [0, 0, 1, 1], [], []>, transpose_lhs_hint = false} : vector<1792x64xbf16>, vector<64x192xbf16>, vector<1792x192xf32> -> vector<1792x192xf32>
    %add3A_88 = arith.addf %add3A_78, %dot_general3A_87 : vector<1792x192xf32>
    %slice3A_89 = vector.extract_strided_slice %concatenate3A_20 {offsets = [2, 1, 0], sizes = [8, 224, 64], strides = [1, 1, 1]} : vector<10x226x64xbf16> to vector<8x224x64xbf16>
    %reshape3A_90 = vector.shape_cast %slice3A_89 : vector<8x224x64xbf16> to vector<1792x64xbf16>
    %get3A_91 = arith.constant 7 : index
    %get3A_92 = arith.constant 0 : index
    %get3A_93 = arith.constant 0 : index
    %get3A_94 = vector.load %arg5[%get3A_91, %get3A_92, %get3A_93] : memref<9x64x192xbf16, #tpu.memory_space<vmem>>, vector<1x64x192xbf16>
    %get3A_95 = vector.shape_cast %get3A_94 : vector<1x64x192xbf16> to vector<64x192xbf16>
    %dot_general3A_96 = arith.constant dense<0.000000e+00> : vector<1792x192xf32>
    %dot_general3A_97 = tpu.matmul %reshape3A_90, %get3A_95, %dot_general3A_96 {dimension_numbers = #tpu.dot_dimension_numbers<[1], [0], [0], [1], [0, 0, 1, 1], [], []>, transpose_lhs_hint = false} : vector<1792x64xbf16>, vector<64x192xbf16>, vector<1792x192xf32> -> vector<1792x192xf32>
    %add3A_98 = arith.addf %add3A_88, %dot_general3A_97 : vector<1792x192xf32>
    %slice3A_99 = vector.extract_strided_slice %concatenate3A_20 {offsets = [2, 2, 0], sizes = [8, 224, 64], strides = [1, 1, 1]} : vector<10x226x64xbf16> to vector<8x224x64xbf16>
    %reshape3A_100 = vector.shape_cast %slice3A_99 : vector<8x224x64xbf16> to vector<1792x64xbf16>
    %get3A_101 = arith.constant 8 : index
    %get3A_102 = arith.constant 0 : index
    %get3A_103 = arith.constant 0 : index
    %get3A_104 = vector.load %arg5[%get3A_101, %get3A_102, %get3A_103] : memref<9x64x192xbf16, #tpu.memory_space<vmem>>, vector<1x64x192xbf16>
    %get3A_105 = vector.shape_cast %get3A_104 : vector<1x64x192xbf16> to vector<64x192xbf16>
    %dot_general3A_106 = arith.constant dense<0.000000e+00> : vector<1792x192xf32>
    %dot_general3A_107 = tpu.matmul %reshape3A_100, %get3A_105, %dot_general3A_106 {dimension_numbers = #tpu.dot_dimension_numbers<[1], [0], [0], [1], [0, 0, 1, 1], [], []>, transpose_lhs_hint = false} : vector<1792x64xbf16>, vector<64x192xbf16>, vector<1792x192xf32> -> vector<1792x192xf32>
    %add3A_108 = arith.addf %add3A_98, %dot_general3A_107 : vector<1792x192xf32>
    %get3A_109 = arith.constant 0 : index
    %get3A_110 = arith.constant 0 : index
    %get3A_111 = vector.load %arg6[%get3A_109, %get3A_110] : memref<1x192xf32, #tpu.memory_space<vmem>>, vector<1x192xf32>
    %get3A_112 = vector.shape_cast %get3A_111 : vector<1x192xf32> to vector<192xf32>
    %broadcast_in_dim3A_113 = vector.shape_cast %get3A_112 : vector<192xf32> to vector<1x192xf32>
    %add3A_114 = vector.broadcast %broadcast_in_dim3A_113 : vector<1x192xf32> to vector<1792x192xf32>
    %add3A_115 = arith.addf %add3A_108, %add3A_114 : vector<1792x192xf32>
    %max3A = arith.constant 0.000000e+00 : f32
    %max3A_116 = vector.broadcast %max3A : f32 to vector<1792x192xf32>
    %max3A_117 = arith.maximumf %add3A_115, %max3A_116 : vector<1792x192xf32>
    %reshape3A_118 = vector.shape_cast %max3A_117 : vector<1792x192xf32> to vector<8x224x192xf32>
    %convert_element_type3A = arith.truncf %reshape3A_118 : vector<8x224x192xf32> to vector<8x224x192xbf16>
    %swap3A = arith.constant 0 : index
    %swap3A_119 = arith.constant 0 : index
    %swap3A_120 = arith.constant 0 : index
    %swap3A_121 = arith.constant 0 : index
    %swap3A_122 = vector.load %arg7[%swap3A, %swap3A_119, %swap3A_120, %swap3A_121] : memref<1x8x224x192xbf16, #tpu.memory_space<vmem>>, vector<1x8x224x192xbf16>
    %swap3A_123 = vector.shape_cast %swap3A_122 : vector<1x8x224x192xbf16> to vector<8x224x192xbf16>
    %swap3A_124 = vector.shape_cast %convert_element_type3A : vector<8x224x192xbf16> to vector<1x8x224x192xbf16>
    tpu.vector_store %arg7[%swap3A, %swap3A_119, %swap3A_120, %swap3A_121], %swap3A_124 {strides = array<i32>} : memref<1x8x224x192xbf16, #tpu.memory_space<vmem>>, vector<1x8x224x192xbf16>,
    return
  }
  func.func @transform_0(%arg0: i32, %arg1: i32) -> (i32, i32, i32, i32) {
    %c0_i32 = arith.constant 0 : i32
    %c0_i32_0 = arith.constant 0 : i32
    %c0_i32_1 = arith.constant 0 : i32
    return %arg0, %arg1, %c0_i32, %c0_i32_0 : i32, i32, i32, i32
  }
  func.func @transform_1(%arg0: i32, %arg1: i32) -> (i32, i32, i32, i32, i32) {
    %c0_i32 = arith.constant 0 : i32
    %c0_i32_0 = arith.constant 0 : i32
    %c0_i32_1 = arith.constant 0 : i32
    %c0_i32_2 = arith.constant 0 : i32
    return %arg0, %arg1, %c0_i32, %c0_i32_0, %c0_i32_1 : i32, i32, i32, i32, i32
  }
  func.func @transform_2(%arg0: i32, %arg1: i32) -> (i32, i32, i32, i32, i32) {
    %c0_i32 = arith.constant 0 : i32
    %c0_i32_0 = arith.constant 0 : i32
    %c0_i32_1 = arith.constant 0 : i32
    %c0_i32_2 = arith.constant 0 : i32
    return %arg0, %arg1, %c0_i32, %c0_i32_0, %c0_i32_1 : i32, i32, i32, i32, i32
  }
  func.func @transform_3(%arg0: i32, %arg1: i32) -> (i32, i32, i32) {
    %c0_i32 = arith.constant 0 : i32
    %c0_i32_0 = arith.constant 0 : i32
    %c0_i32_1 = arith.constant 0 : i32
    %c0_i32_2 = arith.constant 0 : i32
    return %c0_i32, %c0_i32_0, %c0_i32_1 : i32, i32, i32
  }
  func.func @transform_4(%arg0: i32, %arg1: i32) -> (i32, i32) {
    %c0_i32 = arith.constant 0 : i32
    %c0_i32_0 = arith.constant 0 : i32
    %c0_i32_1 = arith.constant 0 : i32
    return %c0_i32, %c0_i32_0 : i32, i32
  }
  func.func @transform_5(%arg0: i32, %arg1: i32) -> (i32, i32, i32, i32) {
    %c0_i32 = arith.constant 0 : i32
    %c0_i32_0 = arith.constant 0 : i32
    %c0_i32_1 = arith.constant 0 : i32
    return %arg0, %arg1, %c0_i32, %c0_i32_0 : i32, i32, i32, i32
  }
}

module attributes {stable_mosaic.version = 14 : i64} {
  func.func @body(%arg0: i32, %arg1: i32, %arg2: memref<1x8x224x192xbf16, #tpu.memory_space<vmem>>, %arg3: memref<1x1x1x224x192xbf16, #tpu.memory_space<vmem>>, %arg4: memref<1x1x1x224x192xbf16, #tpu.memory_space<vmem>>, %arg5: memref<9x192x3xbf16, #tpu.memory_space<vmem>>, %arg6: memref<1x3xf32, #tpu.memory_space<vmem>>, %arg7: memref<1x8x224x3xf32, #tpu.memory_space<vmem>>) attributes {dimension_semantics = [#tpu.dimension_semantics<arbitrary>, #tpu.dimension_semantics<arbitrary>], iteration_bounds = array<i64: 4, 28>, scalar_prefetch = 0 : i64, scratch_operands = 0 : i64, tpu.core_type = #tpu.core_type<tc>, window_params = [{transform_indices = @transform_0, window_bounds = array<i64: 1, 8, 224, 192>}, {transform_indices = @transform_1, window_bounds = array<i64: 1, 1, 1, 224, 192>}, {transform_indices = @transform_2, window_bounds = array<i64: 1, 1, 1, 224, 192>}, {pipeline_mode = #tpu.pipeline_mode<synchronous>, transform_indices = @transform_3, window_bounds = array<i64: 9, 192, 3>}, {pipeline_mode = #tpu.pipeline_mode<synchronous>, transform_indices = @transform_4, window_bounds = array<i64: 1, 3>}, {transform_indices = @transform_5, window_bounds = array<i64: 1, 8, 224, 3>}]} {
    %get3A = arith.constant 0 : index
    %get3A_0 = arith.constant 0 : index
    %get3A_1 = arith.constant 0 : index
    %get3A_2 = arith.constant 0 : index
    %get3A_3 = arith.constant 0 : index
    %get3A_4 = vector.load %arg3[%get3A, %get3A_0, %get3A_1, %get3A_2, %get3A_3] : memref<1x1x1x224x192xbf16, #tpu.memory_space<vmem>>, vector<1x1x1x224x192xbf16>
    %get3A_5 = vector.shape_cast %get3A_4 : vector<1x1x1x224x192xbf16> to vector<1x224x192xbf16>
    %get3A_6 = arith.constant 0 : index
    %get3A_7 = arith.constant 0 : index
    %get3A_8 = arith.constant 0 : index
    %get3A_9 = arith.constant 0 : index
    %get3A_10 = vector.load %arg2[%get3A_6, %get3A_7, %get3A_8, %get3A_9] : memref<1x8x224x192xbf16, #tpu.memory_space<vmem>>, vector<1x8x224x192xbf16>
    %get3A_11 = vector.shape_cast %get3A_10 : vector<1x8x224x192xbf16> to vector<8x224x192xbf16>
    %get3A_12 = arith.constant 0 : index
    %get3A_13 = arith.constant 0 : index
    %get3A_14 = arith.constant 0 : index
    %get3A_15 = arith.constant 0 : index
    %get3A_16 = arith.constant 0 : index
    %get3A_17 = vector.load %arg4[%get3A_12, %get3A_13, %get3A_14, %get3A_15, %get3A_16] : memref<1x1x1x224x192xbf16, #tpu.memory_space<vmem>>, vector<1x1x1x224x192xbf16>
    %get3A_18 = vector.shape_cast %get3A_17 : vector<1x1x1x224x192xbf16> to vector<1x224x192xbf16>
    %concatenate3A = tpu.concatenate %get3A_5, %get3A_11, %get3A_18 in 0 : vector<1x224x192xbf16>, vector<8x224x192xbf16>, vector<1x224x192xbf16> -> vector<10x224x192xbf16>
    %broadcast_in_dim3A = arith.constant 0.000000e+00 : bf16
    %broadcast_in_dim3A_19 = vector.broadcast %broadcast_in_dim3A : bf16 to vector<10x1x192xbf16>
    %concatenate3A_20 = tpu.concatenate %broadcast_in_dim3A_19, %concatenate3A, %broadcast_in_dim3A_19 in 1 : vector<10x1x192xbf16>, vector<10x224x192xbf16>, vector<10x1x192xbf16> -> vector<10x226x192xbf16>
    %broadcast_in_dim3A_21 = arith.constant 0.000000e+00 : f32
    %broadcast_in_dim3A_22 = vector.broadcast %broadcast_in_dim3A_21 : f32 to vector<1792x3xf32>
    %slice3A = vector.extract_strided_slice %concatenate3A_20 {offsets = [0, 0, 0], sizes = [8, 224, 192], strides = [1, 1, 1]} : vector<10x226x192xbf16> to vector<8x224x192xbf16>
    %reshape3A = vector.shape_cast %slice3A : vector<8x224x192xbf16> to vector<1792x192xbf16>
    %get3A_23 = arith.constant 0 : index
    %get3A_24 = arith.constant 0 : index
    %get3A_25 = arith.constant 0 : index
    %get3A_26 = vector.load %arg5[%get3A_23, %get3A_24, %get3A_25] : memref<9x192x3xbf16, #tpu.memory_space<vmem>>, vector<1x192x3xbf16>
    %get3A_27 = vector.shape_cast %get3A_26 : vector<1x192x3xbf16> to vector<192x3xbf16>
    %dot_general3A = arith.constant dense<0.000000e+00> : vector<1792x3xf32>
    %dot_general3A_28 = tpu.matmul %reshape3A, %get3A_27, %dot_general3A {dimension_numbers = #tpu.dot_dimension_numbers<[1], [0], [0], [1], [0, 0, 1, 1], [], []>, transpose_lhs_hint = false} : vector<1792x192xbf16>, vector<192x3xbf16>, vector<1792x3xf32> -> vector<1792x3xf32>
    %add3A = arith.addf %broadcast_in_dim3A_22, %dot_general3A_28 : vector<1792x3xf32>
    %slice3A_29 = vector.extract_strided_slice %concatenate3A_20 {offsets = [0, 1, 0], sizes = [8, 224, 192], strides = [1, 1, 1]} : vector<10x226x192xbf16> to vector<8x224x192xbf16>
    %reshape3A_30 = vector.shape_cast %slice3A_29 : vector<8x224x192xbf16> to vector<1792x192xbf16>
    %get3A_31 = arith.constant 1 : index
    %get3A_32 = arith.constant 0 : index
    %get3A_33 = arith.constant 0 : index
    %get3A_34 = vector.load %arg5[%get3A_31, %get3A_32, %get3A_33] : memref<9x192x3xbf16, #tpu.memory_space<vmem>>, vector<1x192x3xbf16>
    %get3A_35 = vector.shape_cast %get3A_34 : vector<1x192x3xbf16> to vector<192x3xbf16>
    %dot_general3A_36 = arith.constant dense<0.000000e+00> : vector<1792x3xf32>
    %dot_general3A_37 = tpu.matmul %reshape3A_30, %get3A_35, %dot_general3A_36 {dimension_numbers = #tpu.dot_dimension_numbers<[1], [0], [0], [1], [0, 0, 1, 1], [], []>, transpose_lhs_hint = false} : vector<1792x192xbf16>, vector<192x3xbf16>, vector<1792x3xf32> -> vector<1792x3xf32>
    %add3A_38 = arith.addf %add3A, %dot_general3A_37 : vector<1792x3xf32>
    %slice3A_39 = vector.extract_strided_slice %concatenate3A_20 {offsets = [0, 2, 0], sizes = [8, 224, 192], strides = [1, 1, 1]} : vector<10x226x192xbf16> to vector<8x224x192xbf16>
    %reshape3A_40 = vector.shape_cast %slice3A_39 : vector<8x224x192xbf16> to vector<1792x192xbf16>
    %get3A_41 = arith.constant 2 : index
    %get3A_42 = arith.constant 0 : index
    %get3A_43 = arith.constant 0 : index
    %get3A_44 = vector.load %arg5[%get3A_41, %get3A_42, %get3A_43] : memref<9x192x3xbf16, #tpu.memory_space<vmem>>, vector<1x192x3xbf16>
    %get3A_45 = vector.shape_cast %get3A_44 : vector<1x192x3xbf16> to vector<192x3xbf16>
    %dot_general3A_46 = arith.constant dense<0.000000e+00> : vector<1792x3xf32>
    %dot_general3A_47 = tpu.matmul %reshape3A_40, %get3A_45, %dot_general3A_46 {dimension_numbers = #tpu.dot_dimension_numbers<[1], [0], [0], [1], [0, 0, 1, 1], [], []>, transpose_lhs_hint = false} : vector<1792x192xbf16>, vector<192x3xbf16>, vector<1792x3xf32> -> vector<1792x3xf32>
    %add3A_48 = arith.addf %add3A_38, %dot_general3A_47 : vector<1792x3xf32>
    %slice3A_49 = vector.extract_strided_slice %concatenate3A_20 {offsets = [1, 0, 0], sizes = [8, 224, 192], strides = [1, 1, 1]} : vector<10x226x192xbf16> to vector<8x224x192xbf16>
    %reshape3A_50 = vector.shape_cast %slice3A_49 : vector<8x224x192xbf16> to vector<1792x192xbf16>
    %get3A_51 = arith.constant 3 : index
    %get3A_52 = arith.constant 0 : index
    %get3A_53 = arith.constant 0 : index
    %get3A_54 = vector.load %arg5[%get3A_51, %get3A_52, %get3A_53] : memref<9x192x3xbf16, #tpu.memory_space<vmem>>, vector<1x192x3xbf16>
    %get3A_55 = vector.shape_cast %get3A_54 : vector<1x192x3xbf16> to vector<192x3xbf16>
    %dot_general3A_56 = arith.constant dense<0.000000e+00> : vector<1792x3xf32>
    %dot_general3A_57 = tpu.matmul %reshape3A_50, %get3A_55, %dot_general3A_56 {dimension_numbers = #tpu.dot_dimension_numbers<[1], [0], [0], [1], [0, 0, 1, 1], [], []>, transpose_lhs_hint = false} : vector<1792x192xbf16>, vector<192x3xbf16>, vector<1792x3xf32> -> vector<1792x3xf32>
    %add3A_58 = arith.addf %add3A_48, %dot_general3A_57 : vector<1792x3xf32>
    %slice3A_59 = vector.extract_strided_slice %concatenate3A_20 {offsets = [1, 1, 0], sizes = [8, 224, 192], strides = [1, 1, 1]} : vector<10x226x192xbf16> to vector<8x224x192xbf16>
    %reshape3A_60 = vector.shape_cast %slice3A_59 : vector<8x224x192xbf16> to vector<1792x192xbf16>
    %get3A_61 = arith.constant 4 : index
    %get3A_62 = arith.constant 0 : index
    %get3A_63 = arith.constant 0 : index
    %get3A_64 = vector.load %arg5[%get3A_61, %get3A_62, %get3A_63] : memref<9x192x3xbf16, #tpu.memory_space<vmem>>, vector<1x192x3xbf16>
    %get3A_65 = vector.shape_cast %get3A_64 : vector<1x192x3xbf16> to vector<192x3xbf16>
    %dot_general3A_66 = arith.constant dense<0.000000e+00> : vector<1792x3xf32>
    %dot_general3A_67 = tpu.matmul %reshape3A_60, %get3A_65, %dot_general3A_66 {dimension_numbers = #tpu.dot_dimension_numbers<[1], [0], [0], [1], [0, 0, 1, 1], [], []>, transpose_lhs_hint = false} : vector<1792x192xbf16>, vector<192x3xbf16>, vector<1792x3xf32> -> vector<1792x3xf32>
    %add3A_68 = arith.addf %add3A_58, %dot_general3A_67 : vector<1792x3xf32>
    %slice3A_69 = vector.extract_strided_slice %concatenate3A_20 {offsets = [1, 2, 0], sizes = [8, 224, 192], strides = [1, 1, 1]} : vector<10x226x192xbf16> to vector<8x224x192xbf16>
    %reshape3A_70 = vector.shape_cast %slice3A_69 : vector<8x224x192xbf16> to vector<1792x192xbf16>
    %get3A_71 = arith.constant 5 : index
    %get3A_72 = arith.constant 0 : index
    %get3A_73 = arith.constant 0 : index
    %get3A_74 = vector.load %arg5[%get3A_71, %get3A_72, %get3A_73] : memref<9x192x3xbf16, #tpu.memory_space<vmem>>, vector<1x192x3xbf16>
    %get3A_75 = vector.shape_cast %get3A_74 : vector<1x192x3xbf16> to vector<192x3xbf16>
    %dot_general3A_76 = arith.constant dense<0.000000e+00> : vector<1792x3xf32>
    %dot_general3A_77 = tpu.matmul %reshape3A_70, %get3A_75, %dot_general3A_76 {dimension_numbers = #tpu.dot_dimension_numbers<[1], [0], [0], [1], [0, 0, 1, 1], [], []>, transpose_lhs_hint = false} : vector<1792x192xbf16>, vector<192x3xbf16>, vector<1792x3xf32> -> vector<1792x3xf32>
    %add3A_78 = arith.addf %add3A_68, %dot_general3A_77 : vector<1792x3xf32>
    %slice3A_79 = vector.extract_strided_slice %concatenate3A_20 {offsets = [2, 0, 0], sizes = [8, 224, 192], strides = [1, 1, 1]} : vector<10x226x192xbf16> to vector<8x224x192xbf16>
    %reshape3A_80 = vector.shape_cast %slice3A_79 : vector<8x224x192xbf16> to vector<1792x192xbf16>
    %get3A_81 = arith.constant 6 : index
    %get3A_82 = arith.constant 0 : index
    %get3A_83 = arith.constant 0 : index
    %get3A_84 = vector.load %arg5[%get3A_81, %get3A_82, %get3A_83] : memref<9x192x3xbf16, #tpu.memory_space<vmem>>, vector<1x192x3xbf16>
    %get3A_85 = vector.shape_cast %get3A_84 : vector<1x192x3xbf16> to vector<192x3xbf16>
    %dot_general3A_86 = arith.constant dense<0.000000e+00> : vector<1792x3xf32>
    %dot_general3A_87 = tpu.matmul %reshape3A_80, %get3A_85, %dot_general3A_86 {dimension_numbers = #tpu.dot_dimension_numbers<[1], [0], [0], [1], [0, 0, 1, 1], [], []>, transpose_lhs_hint = false} : vector<1792x192xbf16>, vector<192x3xbf16>, vector<1792x3xf32> -> vector<1792x3xf32>
    %add3A_88 = arith.addf %add3A_78, %dot_general3A_87 : vector<1792x3xf32>
    %slice3A_89 = vector.extract_strided_slice %concatenate3A_20 {offsets = [2, 1, 0], sizes = [8, 224, 192], strides = [1, 1, 1]} : vector<10x226x192xbf16> to vector<8x224x192xbf16>
    %reshape3A_90 = vector.shape_cast %slice3A_89 : vector<8x224x192xbf16> to vector<1792x192xbf16>
    %get3A_91 = arith.constant 7 : index
    %get3A_92 = arith.constant 0 : index
    %get3A_93 = arith.constant 0 : index
    %get3A_94 = vector.load %arg5[%get3A_91, %get3A_92, %get3A_93] : memref<9x192x3xbf16, #tpu.memory_space<vmem>>, vector<1x192x3xbf16>
    %get3A_95 = vector.shape_cast %get3A_94 : vector<1x192x3xbf16> to vector<192x3xbf16>
    %dot_general3A_96 = arith.constant dense<0.000000e+00> : vector<1792x3xf32>
    %dot_general3A_97 = tpu.matmul %reshape3A_90, %get3A_95, %dot_general3A_96 {dimension_numbers = #tpu.dot_dimension_numbers<[1], [0], [0], [1], [0, 0, 1, 1], [], []>, transpose_lhs_hint = false} : vector<1792x192xbf16>, vector<192x3xbf16>, vector<1792x3xf32> -> vector<1792x3xf32>
    %add3A_98 = arith.addf %add3A_88, %dot_general3A_97 : vector<1792x3xf32>
    %slice3A_99 = vector.extract_strided_slice %concatenate3A_20 {offsets = [2, 2, 0], sizes = [8, 224, 192], strides = [1, 1, 1]} : vector<10x226x192xbf16> to vector<8x224x192xbf16>
    %reshape3A_100 = vector.shape_cast %slice3A_99 : vector<8x224x192xbf16> to vector<1792x192xbf16>
    %get3A_101 = arith.constant 8 : index
    %get3A_102 = arith.constant 0 : index
    %get3A_103 = arith.constant 0 : index
    %get3A_104 = vector.load %arg5[%get3A_101, %get3A_102, %get3A_103] : memref<9x192x3xbf16, #tpu.memory_space<vmem>>, vector<1x192x3xbf16>
    %get3A_105 = vector.shape_cast %get3A_104 : vector<1x192x3xbf16> to vector<192x3xbf16>
    %dot_general3A_106 = arith.constant dense<0.000000e+00> : vector<1792x3xf32>
    %dot_general3A_107 = tpu.matmul %reshape3A_100, %get3A_105, %dot_general3A_106 {dimension_numbers = #tpu.dot_dimension_numbers<[1], [0], [0], [1], [0, 0, 1, 1], [], []>, transpose_lhs_hint = false} : vector<1792x192xbf16>, vector<192x3xbf16>, vector<1792x3xf32> -> vector<1792x3xf32>
    %add3A_108 = arith.addf %add3A_98, %dot_general3A_107 : vector<1792x3xf32>
    %get3A_109 = arith.constant 0 : index
    %get3A_110 = arith.constant 0 : index
    %get3A_111 = vector.load %arg6[%get3A_109, %get3A_110] : memref<1x3xf32, #tpu.memory_space<vmem>>, vector<1x3xf32>
    %get3A_112 = vector.shape_cast %get3A_111 : vector<1x3xf32> to vector<3xf32>
    %broadcast_in_dim3A_113 = vector.shape_cast %get3A_112 : vector<3xf32> to vector<1x3xf32>
    %add3A_114 = vector.broadcast %broadcast_in_dim3A_113 : vector<1x3xf32> to vector<1792x3xf32>
    %add3A_115 = arith.addf %add3A_108, %add3A_114 : vector<1792x3xf32>
    %logistic3A = arith.negf %add3A_115 : vector<1792x3xf32>
    %logistic3A_116 = math.exp %logistic3A : vector<1792x3xf32>
    %logistic3A_117 = arith.constant 1.000000e+00 : f32
    %logistic3A_118 = vector.broadcast %logistic3A_117 : f32 to vector<1792x3xf32>
    %logistic3A_119 = arith.addf %logistic3A_118, %logistic3A_116 : vector<1792x3xf32>
    %logistic3A_120 = arith.divf %logistic3A_118, %logistic3A_119 : vector<1792x3xf32>
    %reshape3A_121 = vector.shape_cast %logistic3A_120 : vector<1792x3xf32> to vector<8x224x3xf32>
    %swap3A = arith.constant 0 : index
    %swap3A_122 = arith.constant 0 : index
    %swap3A_123 = arith.constant 0 : index
    %swap3A_124 = arith.constant 0 : index
    %swap3A_125 = vector.load %arg7[%swap3A, %swap3A_122, %swap3A_123, %swap3A_124] : memref<1x8x224x3xf32, #tpu.memory_space<vmem>>, vector<1x8x224x3xf32>
    %swap3A_126 = vector.shape_cast %swap3A_125 : vector<1x8x224x3xf32> to vector<8x224x3xf32>
    %swap3A_127 = vector.shape_cast %reshape3A_121 : vector<8x224x3xf32> to vector<1x8x224x3xf32>
    tpu.vector_store %arg7[%swap3A, %swap3A_122, %swap3A_123, %swap3A_124], %swap3A_127 {strides = array<i32>} : memref<1x8x224x3xf32, #tpu.memory_space<vmem>>, vector<1x8x224x3xf32>,
    return
  }
  func.func @transform_0(%arg0: i32, %arg1: i32) -> (i32, i32, i32, i32) {
    %c0_i32 = arith.constant 0 : i32
    %c0_i32_0 = arith.constant 0 : i32
    %c0_i32_1 = arith.constant 0 : i32
    return %arg0, %arg1, %c0_i32, %c0_i32_0 : i32, i32, i32, i32
  }
  func.func @transform_1(%arg0: i32, %arg1: i32) -> (i32, i32, i32, i32, i32) {
    %c0_i32 = arith.constant 0 : i32
    %c0_i32_0 = arith.constant 0 : i32
    %c0_i32_1 = arith.constant 0 : i32
    %c0_i32_2 = arith.constant 0 : i32
    return %arg0, %arg1, %c0_i32, %c0_i32_0, %c0_i32_1 : i32, i32, i32, i32, i32
  }
  func.func @transform_2(%arg0: i32, %arg1: i32) -> (i32, i32, i32, i32, i32) {
    %c0_i32 = arith.constant 0 : i32
    %c0_i32_0 = arith.constant 0 : i32
    %c0_i32_1 = arith.constant 0 : i32
    %c0_i32_2 = arith.constant 0 : i32
    return %arg0, %arg1, %c0_i32, %c0_i32_0, %c0_i32_1 : i32, i32, i32, i32, i32
  }
  func.func @transform_3(%arg0: i32, %arg1: i32) -> (i32, i32, i32) {
    %c0_i32 = arith.constant 0 : i32
    %c0_i32_0 = arith.constant 0 : i32
    %c0_i32_1 = arith.constant 0 : i32
    %c0_i32_2 = arith.constant 0 : i32
    return %c0_i32, %c0_i32_0, %c0_i32_1 : i32, i32, i32
  }
  func.func @transform_4(%arg0: i32, %arg1: i32) -> (i32, i32) {
    %c0_i32 = arith.constant 0 : i32
    %c0_i32_0 = arith.constant 0 : i32
    %c0_i32_1 = arith.constant 0 : i32
    return %c0_i32, %c0_i32_0 : i32, i32
  }
  func.func @transform_5(%arg0: i32, %arg1: i32) -> (i32, i32, i32, i32) {
    %c0_i32 = arith.constant 0 : i32
    %c0_i32_0 = arith.constant 0 : i32
    %c0_i32_1 = arith.constant 0 : i32
    return %arg0, %arg1, %c0_i32, %c0_i32_0 : i32, i32, i32, i32
  }
}

</mosaic_0001>

<sc_bundles>
// kernel: kernel.8.cloned.1.call-start
scs
__scs_entry_jumppad:
0x0: {  	(pc) =	sbr.rel $0x88, $3  }
0x1: {  	(tag) =	ssettag $0x0;
	lr =	simm.s32 $0x1  }
0x2: {  	[smem:$0x3F97] =	sst lr;
	_ =	strace $0xD0000000  }
0x3: {  	_ = 	snop  }
0x4: {  	_ = 	snop  }
0x5: {  	_ = 	snop  }
0x6: {  	_ = 	snop  }
0x7: {  	_ = 	snop  }
__scs_overlays_trampoline_lowered:
0x8: {  	[smem:$0x3FA6] =	sst s0  }
0x9: {  	[smem:$0x3FA7] =	sst s1  }
0xa: {  	[smem:$0x3FA8] =	sst s2  }
0xb: {  	[smem:$0x3FA9] =	sst s3  }
0xc: {  	[smem:$0x3FAA] =	sst s4  }
0xd: {  	[smem:$0x3FAB] =	sst s5  }
0xe: {  	[smem:$0x3FAC] =	sst s6  }
0xf: {  	[smem:$0x3FAD] =	sst s7  }
0x10: {  	[smem:$0x3FAE] =	sst s8  }
0x11: {  	[smem:$0x3FAF] =	sst s9;
	s0 =	simm.s32 @!p0 $0x0  }
0x12: {  	s1 =	sld [smem:$0x3F95];
	s0 =	simm.s32 @p0 $0x1  }
0x13: {  	[smem:$0x3FB0] =	sst s0;
	s0 =	simm.s32 @!p1 $0x0  }
0x14: {  	s2 =	sld [smem:$0x3F94];
	s0 =	simm.s32 @p1 $0x1  }
0x15: {  	[smem:$0x3FB1] =	sst s0;
	s0 =	simm.s32 @!p2 $0x0  }
0x16: {  	s3 =	sld [smem:$0x3FDB];
	s0 =	simm.s32 @p2 $0x1  }
0x17: {  	s4 =	simm.s32 $0x1BF5;
	[smem:$0x3FB3] =	sst s0  }
0x18: {  	s0 =	sld [smem:$0x3F96];
	_ =	swait.ge [sflag:s4], $0x0  }
0x19: {  	s7 =	sld [smem:$0x3F97]  }
0x1a: {  	s8 =	sadd.s32 $0xFFFFE003, lr  }
0x1b: {  	s9 =	sadd.s32 $0xFFFFFEF7, lr;
	s5 =	simm.s32 $0xFFFFFFFF;
	p2 =	slt.u32 s8, $0xFFFFF086  }
0x1c: {  	p1 =	slt.u32 s9, $0xF7A;
	s5 =	simm.s32 @!p2 $0x0  }
0x1d: {  	s5 =	simm.s32 @p1 $0x1;
	p0 =	seq.s32 s7, s2  }
0x1e: {  	s7 =	smul.u32 @!p0 $0xF7A, s2;
	p2 =	seq.s32 @!p0 s5, $0x0  }
0x1f: {  	s9 =	smul.u32 $0xF7A, s1;
	s8 =	simm.s32 @!p0 $0x1BF5;
	p2 =	por !p2, p0  }
0x20: {  	[sflag:s8] =	ssyncset.s32 @!p0 $0xFFFFF086;
	s6 =	sadd.s32 @!p0 s3, s7;
	s7 =	simm.s32 @!p0 $0x108  }
0x21: {  	s3 =	sadd.s32 s3, s9;
	s6 =	sadd.s32 @!p0 $0x88, s6;
	s7 =	simm.s32 @p2 $0x1082  }
0x22: {  	[simem:s7], [sflag:s8] =	dma.local @!p0 [hbm:s6], $0xF7A  }
0x23: {  	s9 =	sor.u32 $0xD0000000, s2;
	s6 =	simm.s32 $0x108;
	_ =	swait.ge @!p0 [sflag:s8], $0x0  }
0x24: {  	s3 =	sadd.s32 $0x88, s3;
	s6 =	simm.s32 @!p1 $0x1082;
	[sflag:s4] =	ssyncset.s32 $0xFFFFF086  }
0x25: {  	[simem:s6], [sflag:s4] =	dma.local [hbm:s3], $0xF7A  }
0x26: {  	[smem:$0x3F97] =	sst s1;
	(tag) =	ssettag s2;
	_ =	strace s9  }
0x27: {  	s1 =	sld [smem:$0x3FA7]  }
0x28: {  	s2 =	sld [smem:$0x3FA8]  }
0x29: {  	s4 =	sld [smem:$0x3FAA]  }
0x2a: {  	p0 =	seq.s32 s5, $0x0;
	s5 =	sld [smem:$0x3FAB]  }
0x2b: {  	s6 =	sld [smem:$0x3FAC]  }
0x2c: {  	s7 =	sld [smem:$0x3FAD]  }
0x2d: {  	s3 =	simm.s32 $0x108;
	s8 =	sld [smem:$0x3FAE]  }
0x2e: {  	s3 =	simm.s32 @!p0 $0x1082;
	s9 =	sld [smem:$0x3FAF]  }
0x2f: {  	lr =	sadd.s32 s0, s3;
	s0 =	sld [smem:$0x3FA6]  }
0x30: {  	s3 =	sld [smem:$0x3FA9]  }
0x31: {  	[smem:$0x3FB2] =	sst s10  }
0x32: {  	s10 =	sld [smem:$0x3FB0];
	_ =	sdelay $0x3  }
0x33: {  	p0 =	seq.s32 s10, $0x1;
	s10 =	sld [smem:$0x3FB2];
	_ =	sdelay $0x3  }
0x34: {  	[smem:$0x3FB2] =	sst s10  }
0x35: {  	s10 =	sld [smem:$0x3FB1];
	_ =	sdelay $0x3  }
0x36: {  	p1 =	seq.s32 s10, $0x1;
	s10 =	sld [smem:$0x3FB2];
	_ =	sdelay $0x3  }
0x37: {  	[smem:$0x3FB2] =	sst s10  }
0x38: {  	s10 =	sld [smem:$0x3FB3]  }
0x39: {  	_ = 	snop;
	(pc) =	sbr.ind lr, $3  }
0x3a: {  	_ = 	snop  }
0x3b: {  	_ = 	snop  }
0x3c: {  	p2 =	seq.s32 s10, $0x1;
	s10 =	sld [smem:$0x3FB2]  }
0x3d: {  	_ =	shalt  }
0x3e: {  	_ =	shalt  }
0x3f: {  	_ =	shalt  }
0x40: {  	_ =	shalt  }
0x41: {  	_ =	shalt  }
0x42: {  	_ =	shalt  }
0x43: {  	_ =	shalt  }
0x44: {  	_ =	shalt  }
0x45: {  	_ =	shalt  }
0x46: {  	_ =	shalt  }
0x47: {  	_ =	shalt  }
0x48: {  	_ =	shalt  }
0x49: {  	_ =	shalt  }
0x4a: {  	_ =	shalt  }
0x4b: {  	_ =	shalt  }
0x4c: {  	_ =	shalt  }
0x4d: {  	_ =	shalt  }
0x4e: {  	_ =	shalt  }
0x4f: {  	_ =	shalt  }
0x50: {  	_ =	shalt  }
0x51: {  	_ =	shalt  }
0x52: {  	_ =	shalt  }
0x53: {  	_ =	shalt  }
0x54: {  	_ =	shalt  }
0x55: {  	_ =	shalt  }
0x56: {  	_ =	shalt  }
0x57: {  	_ =	shalt  }
0x58: {  	_ =	shalt  }
0x59: {  	_ =	shalt  }
0x5a: {  	_ =	shalt  }
0x5b: {  	_ =	shalt  }
0x5c: {  	_ =	shalt  }
0x5d: {  	_ =	shalt  }
0x5e: {  	_ =	shalt  }
0x5f: {  	_ =	shalt  }
0x60: {  	_ =	shalt  }
0x61: {  	_ =	shalt  }
0x62: {  	_ =	shalt  }
0x63: {  	_ =	shalt  }
0x64: {  	_ =	shalt  }
0x65: {  	_ =	shalt  }
0x66: {  	_ =	shalt  }
0x67: {  	_ =	shalt  }
0x68: {  	_ =	shalt  }
0x69: {  	_ =	shalt  }
0x6a: {  	_ =	shalt  }
0x6b: {  	_ =	shalt  }
0x6c: {  	_ =	shalt  }
0x6d: {  	_ =	shalt  }
0x6e: {  	_ =	shalt  }
0x6f: {  	_ =	shalt  }
0x70: {  	_ =	shalt  }
0x71: {  	_ =	shalt  }
0x72: {  	_ =	shalt  }
0x73: {  	_ =	shalt  }
0x74: {  	_ =	shalt  }
0x75: {  	_ =	shalt  }
0x76: {  	_ =	shalt  }
0x77: {  	_ =	shalt  }
0x78: {  	_ =	shalt  }
0x79: {  	_ =	shalt  }
0x7a: {  	_ =	shalt  }
0x7b: {  	_ =	shalt  }
0x7c: {  	_ =	shalt  }
0x7d: {  	_ =	shalt  }
0x7e: {  	_ =	shalt  }
0x7f: {  	_ =	shalt  }
0x80: {  	_ =	shalt  }
0x81: {  	_ =	shalt  }
0x82: {  	_ =	shalt  }
0x83: {  	_ =	shalt  }
0x84: {  	_ =	shalt  }
0x85: {  	_ =	shalt  }
0x86: {  	_ =	shalt  }
0x87: {  	_ =	shalt  }
.Lfunc_end0:
.L_simem_size_0:
called_computation_lowered:
.L_overlay_start_0:
0x88: {  	s2 =	sld [smem:$0x3FD9]  }
0x89: {  	s3 =	sld [smem:$0x3FFE];
	_ =	sdelay $0x1  }
0x8a: {  	s1 =	srdreg.scid  }
0x8b: {  	s0 =	sand.u32 $0x1, s1  }
0x8c: {  	s14 =	sshll.u32 s0, $0xA;
	s2 =	sadd.s32 s3, s2  }
0x8d: {  	s2 =	sadd.s32 s2, s14  }
0x8e: {  	[smem:$0x3FBE] =	sst s2  }
0x8f: {  	_ = 	snop  }
0x90: {  	s2 =	sld [smem:$0x3FD0];
	_ =	sdelay $0x2  }
0x91: {  	s15 =	simm.s32 $0xA;
	s4 =	simm.s32 $0x10  }
0x92: {  	[smem:s4], [sflag:s15] =	dma.local [hbm:s2], $0x1  }
0x93: {  	_ =	swait.eq [sflag:s15], $0x1  }
0x94: {  	[sflag:s15] =	ssyncset.done $0x0  }
0x95: {  	[sflag:s15] =	ssyncadd.s32 $0xFFFFFFFF  }
0x96: {  	s16 =	sld [smem:$0x10];
	(tm) =	ssettm $0x1  }
0x97: {  	s17 =	sld [smem:$0x3FFB];
	_ =	sdelay $0x3  }
0x98: {  	_ =	strace s17  }
0x99: {  	s3 =	sld [smem:$0x3FFC];
	_ =	sdelay $0x3  }
0x9a: {  	_ =	strace s3  }
0x9b: {  	s3 =	sld [smem:$0x3FFD];
	_ =	sdelay $0x3  }
0x9c: {  	_ =	strace s3  }
0x9d: {  	_ =	strace $0x8FFFFFFF  }
0x9e: {  	s18 =	sld [smem:$0x3FDB];
	_ =	sdelay $0x1  }
0x9f: {  	s19 =	simm.s32 $_scs_section_size  }
0xa0: {  	s5 =	simm.s32 $_size__tile_overlayer_lowered;
	s6 =	simm.s32 $_tile_overlayer_lowered  }
0xa1: {  	s22 =	simm.s32 $0x1BFF;
	s21 =	sshll.u32 s6, $0x1;
	s3 =	sadd.s32 s19, s18  }
0xa2: {  	s7 =	simm.s32 $0x0;
	s20 =	sshll.u32 s5, $0x1;
	s5 =	sadd.s32 s21, s3  }
0xa3: {  	[timem:s7], [sflag:s22] =	dma.local [hbm:s5], s20  }
0xa4: {  	_ =	swait.ge [sflag:s22], s20  }
0xa5: {  	s4 =	ssub.s32 $0x0, s20;
	[sflag:s22] =	ssyncset.done $0x0  }
0xa6: {  	[sflag:s22] =	ssyncadd.s32 s4;
	_ =	sdelay $0x1  }
0xa7: {  	s23 =	simm.s32 $0x1B8B  }
0xa8: {  	_ =	swait.ge [sflag:s23], $0x1  }
0xa9: {  	[sflag:s23] =	ssyncset.done $0x0  }
0xaa: {  	s25 =	simm.s32 $0x1B8E;
	s24 =	sld [smem:$0x3FFE];
	[sflag:s23] =	ssyncadd.s32 $0xFFFFFFFF  }
0xab: {  	s26 =	simm.s32 $execute0_lowered;
	[smem:$0x3FD2] =	sst s25  }
0xac: {  	s5 =	sshll.u32 s26, $0x1;
	_ =	strace $0x80000046;
	[dreg:$0x1] =	wrdreg $0xFFFFFFFF  }
0xad: {  	s28 =	simm.s32 $_size_execute0_lowered;
	s3 =	sadd.s32 s3, s5;
	[dreg:$0x0] =	wrdreg $0x0  }
0xae: {  	s5 =	sshll.u32 s28, $0x1;
	[dreg:$0x2] =	wrdreg s3  }
0xaf: {  	[dreg:$0x3] =	wrdreg s5  }
0xb0: {  	[dreg:$0x4] =	wrdreg $0xC0  }
0xb1: {  	_ =	task [dreg:s7], $0x5FFFF  }
0xb2: {  	[dreg:$0x1] =	wrdreg $0xFFFFFFFF  }
0xb3: {  	[dreg:$0x0] =	wrdreg $0x60  }
0xb4: {  	[dreg:$0x2] =	wrdreg s24  }
0xb5: {  	[dreg:$0x3] =	wrdreg s16  }
0xb6: {  	[dreg:$0x4] =	wrdreg $0x9  }
0xb7: {  	_ =	task.clear_ibuf [dreg:s7], $0x5FFFF;
	_ =	strace $0x90000046  }
0xb8: {  	s29 =	simm.s32 $0x9;
	_ =	strace $0x80000048  }
0xb9: {  	_ =	swait.ge [sflag:s29], $0x1  }
0xba: {  	[sflag:s29] =	ssyncadd.s32 $0xFFFFFFFF  }
0xbb: {  	_ =	strace $0x90000048  }
0xbc: {  	_ =	sfence  }
0xbd: {  	s30 =	sld [smem:$0x0];
	_ =	sdelay $0x2  }
0xbe: {  	s31 =	sshll.u32 s1, $0xD;
	s1 =	sshrl.u32 s1, $0x2  }
0xbf: {  	s3 =	sand.u32 $0x4000, s31;
	s1 =	sadd.s32 s1, s30  }
0xc0: {  	s0 =	sor.u32 s3, s0;
	s1 =	sshll.u32 s1, $0x11  }
0xc1: {  	s0 =	sor.u32 s1, s0  }
0xc2: {  	s0 =	sadd.s32 $0x8F2B, s0  }
0xc3: {  	[sflag:s0] =	ssyncadd.remote.s32 $0x1  }
0xc4: {  	_ =	sfence.sel $0xFFFF  }
0xc5: {  	[dreg:$0x0] =	wrdreg $0xFFFFFFFF;
	(pc) =	sbr.abs _section_cstart, $3  }
0xc6: {  	[dreg:$0x1] =	wrdreg $0xFFFFFFFF  }
0xc7: {  	_ =	task.clear_ibuf [dreg:s7], $0x2FFFF;
	_ =	strace $0x9FFFFFFF  }
0xc8: {  	(tm) =	ssettm $0x7FFFFFFF  }
0xc9: {  	_ =	shalt  }
tec
execute0_lowered:
.L_overlay_start_1:
0x0: {  	(tag) =	ssettag $0x1  }
0x1: {  	s5 =	rddreg [dreg:$0x0];
	s1 =	srdreg.scid  }
0x2: {  	s0 =	stileid.u32;
	s6 =	rddreg [dreg:$0x1];
	s2 =	simm.s32 $0x0  }
0x3: {  	s9 =	simm.s32 $0x9888;
	s10 =	simm.s32 $0xC988;
	s11 =	simm.s32 $0x2  }
0x4: {  	s12 =	simm.s32 $0x3;
	s3 =	sand.u32 $0x1, s1;
	s4 =	sshll.u32 s0, $0x1  }
0x5: {  	s13 =	simm.s32 $0x0;
	s1 =	rddreg [dreg:$0x2];
	s4 =	sor.u32 s3, s4  }
0x6: {  	[smem:$0x7FF] =	sst s2;
	s7 =	ssub.s32 $0x2, s3;
	s3 =	smul.u32 $0x1880, s4  }
0x7: {  	_ =	strace $0x80000047;
	s8 =	sshrl.u32 s7, $0x1;
	s4 =	sadd.s32 $0xE00, s5  }
0x8: {  	s5 =	sadd.s32 $0x1E00, s5;
	s7 =	ssub.s32 s7, s8;
	s31 =	sshrl.u32 s3, $0x3  }
0x9: {  	s8 =	simm.s32 $0x1;
	s7 =	smax.u32 s7, $0x1;
	s6 =	sadd.s32 s6, s31  }
.LBB2_1:
0xa: {  	[tilespmem:s2], [sflag:$0x1] =	stream.linear.gather [hbm4b:s4+s2], $0x8000, $0x38;
	[tilespmem:$0xFA88] =	vst v63  }
0xb: {  	s14 =	simm.s32 $0x8000  }
0xc: {  	[tilespmem:s14], [sflag:$0x1] =	stream.linear.gather [hbm4b:s6+s2], $0x1880, $0x38;
	[tilespmem:$0xFA88] =	vst v63  }
0xd: {  	_ =	swait.ge [sflag:s8], $0x1880  }
0xe: {  	[sflag:s8] =	ssyncset.done $0x0  }
0xf: {  	[sflag:s8] =	ssyncadd.s32 $0xFFFFE780  }
0x10: {  	_ =	swait.ge [sflag:s8], $0x8000  }
0x11: {  	[sflag:s8] =	ssyncset.done $0x0  }
0x12: {  	s15 =	simm.s32 $0x8188;
	s16 =	simm.s32 $0x0;
	[sflag:s8] =	ssyncadd.s32 $0xFFFF8000  }
.LBB2_2:
0x13: {  	p0 =	seq.s32 s16, $0x0;
	v0 =	vmov s14  }
0x14: {  	s17 =	simm.s32 @!p0 $0x2  }
0x15: {  	_ =	swait.ge @!p0 [sflag:s17], $0x3100  }
0x16: {  	[sflag:s17] =	ssyncset.done @!p0 $0x0  }
0x17: {  	s24 =	simm.s32 $0x0;
	[sflag:s17] =	ssyncadd.s32 @!p0 $0xFFFFCF00  }
0x18: {  	v1 =	vld.idx.msk [tilespmem:v0+s24+$0x0 ss:$0x1], $0xffff;
	_ =	sdelay $0x4  }
0x19: {  	v1 =	vshll.u32 v1, $0x7  }
0x1a: {  	v1 =	vshra.s32 v1, $0x2  }
0x1b: {  	(v2sf) =	vpush v1, $0x0;
	_ =	sdelay $0xb  }
0x1c: {  	(v2sf) =	vpush v1, $0x1;
	_ =	sdelay $0x2  }
0x1d: {  	s18 =	spop (v2sf)  }
0x1e: {  	v2 =	vld [tilespmem:s18+$0x0];
	_ =	sdelay $0x3  }
0x1f: {  	s17 =	simm.s32 $0x9908  }
0x20: {  	[tilespmem:s17+$0xFFFFFF80] =	vst v2  }
0x21: {  	v2 =	vld [tilespmem:s18+$0x10];
	_ =	sdelay $0x1  }
0x22: {  	(v2sf) =	vpush v1, $0x2;
	_ =	sdelay $0x2  }
0x23: {  	s25 =	spop (v2sf);
	[tilespmem:s17+$0xFFFFFF90] =	vst v2  }
0x24: {  	v2 =	vld [tilespmem:s25+$0x0];
	_ =	sdelay $0x4  }
0x25: {  	[tilespmem:s17+$0xFFFFFFA0] =	vst v2  }
0x26: {  	v2 =	vld [tilespmem:s25+$0x10];
	_ =	sdelay $0x1  }
0x27: {  	(v2sf) =	vpush v1, $0x3;
	_ =	sdelay $0x2  }
0x28: {  	s26 =	spop (v2sf);
	[tilespmem:s17+$0xFFFFFFB0] =	vst v2  }
0x29: {  	v2 =	vld [tilespmem:s26+$0x0];
	_ =	sdelay $0x4  }
0x2a: {  	[tilespmem:s17+$0xFFFFFFC0] =	vst v2  }
0x2b: {  	v2 =	vld [tilespmem:s26+$0x10];
	_ =	sdelay $0x1  }
0x2c: {  	(v2sf) =	vpush v1, $0x4;
	_ =	sdelay $0x2  }
0x2d: {  	s28 =	spop (v2sf);
	[tilespmem:s17+$0xFFFFFFD0] =	vst v2  }
0x2e: {  	v2 =	vld [tilespmem:s28+$0x0];
	_ =	sdelay $0x4  }
0x2f: {  	[tilespmem:s17+$0xFFFFFFE0] =	vst v2  }
0x30: {  	v2 =	vld [tilespmem:s28+$0x10];
	_ =	sdelay $0x1  }
0x31: {  	(v2sf) =	vpush v1, $0x5;
	_ =	sdelay $0x2  }
0x32: {  	s29 =	spop (v2sf);
	[tilespmem:s17+$0xFFFFFFF0] =	vst v2  }
0x33: {  	v2 =	vld [tilespmem:s29+$0x0];
	_ =	sdelay $0x4  }
0x34: {  	[tilespmem:s17+$0x0] =	vst v2  }
0x35: {  	v2 =	vld [tilespmem:s29+$0x10];
	_ =	sdelay $0x1  }
0x36: {  	(v2sf) =	vpush v1, $0x6;
	_ =	sdelay $0x2  }
0x37: {  	s30 =	spop (v2sf);
	[tilespmem:s17+$0x10] =	vst v2  }
0x38: {  	v2 =	vld [tilespmem:s30+$0x0];
	_ =	sdelay $0x4  }
0x39: {  	[tilespmem:s17+$0x20] =	vst v2  }
0x3a: {  	v2 =	vld [tilespmem:s30+$0x10];
	_ =	sdelay $0x1  }
0x3b: {  	(v2sf) =	vpush v1, $0x7;
	_ =	sdelay $0x2  }
0x3c: {  	s31 =	spop (v2sf);
	[tilespmem:s17+$0x30] =	vst v2  }
0x3d: {  	v1 =	vld [tilespmem:s31+$0x0];
	_ =	sdelay $0x4  }
0x3e: {  	[tilespmem:s17+$0x40] =	vst v1  }
0x3f: {  	v1 =	vld [tilespmem:s31+$0x10];
	_ =	sdelay $0x4  }
0x40: {  	s19 =	spop (v2sf);
	[tilespmem:s17+$0x50] =	vst v1  }
0x41: {  	v1 =	vld [tilespmem:s19+$0x0];
	_ =	sdelay $0x4  }
0x42: {  	[tilespmem:s17+$0x60] =	vst v1  }
0x43: {  	s20 =	simm.s32 $0x40;
	s18 =	simm.s32 $0x20;
	v1 =	vld [tilespmem:s19+$0x10]  }
.LBB2_3:
0x44: {  	_ =	sdelay $0x2  }
0x45: {  	s21 =	sshra.s32 s18, $0x2  }
0x46: {  	s18 =	smov.u32 s20;
	s19 =	sadd.s32 $0x20, s20;
	[tilespmem:s17+$0x70] =	vst v1;
	s17 =	sadd.s32 $0x100, s17  }
0x47: {  	p1 =	sne.s32 s20, $0x600;
	v1 =	vld.idx.msk [tilespmem:v0+s21+$0x0 ss:$0x1], $0xffff;
	_ =	sdelay $0x5  }
0x48: {  	v1 =	vshll.u32 v1, $0x7  }
0x49: {  	v1 =	vshra.s32 v1, $0x2  }
0x4a: {  	(v2sf) =	vpush v1, $0x0;
	_ =	sdelay $0xb  }
0x4b: {  	(v2sf) =	vpush v1, $0x1;
	_ =	sdelay $0x2  }
0x4c: {  	s20 =	spop (v2sf)  }
0x4d: {  	v2 =	vld [tilespmem:s20+$0x0];
	_ =	sdelay $0x4  }
0x4e: {  	[tilespmem:s17+$0xFFFFFF80] =	vst v2  }
0x4f: {  	v2 =	vld [tilespmem:s20+$0x10];
	_ =	sdelay $0x1  }
0x50: {  	(v2sf) =	vpush v1, $0x2;
	_ =	sdelay $0x2  }
0x51: {  	[tilespmem:s17+$0xFFFFFF90] =	vst v2;
	s20 =	spop (v2sf)  }
0x52: {  	v2 =	vld [tilespmem:s20+$0x0];
	_ =	sdelay $0x4  }
0x53: {  	[tilespmem:s17+$0xFFFFFFA0] =	vst v2  }
0x54: {  	v2 =	vld [tilespmem:s20+$0x10];
	_ =	sdelay $0x1  }
0x55: {  	(v2sf) =	vpush v1, $0x3;
	_ =	sdelay $0x2  }
0x56: {  	[tilespmem:s17+$0xFFFFFFB0] =	vst v2;
	s20 =	spop (v2sf)  }
0x57: {  	v2 =	vld [tilespmem:s20+$0x0];
	_ =	sdelay $0x4  }
0x58: {  	[tilespmem:s17+$0xFFFFFFC0] =	vst v2  }
0x59: {  	v2 =	vld [tilespmem:s20+$0x10];
	_ =	sdelay $0x1  }
0x5a: {  	(v2sf) =	vpush v1, $0x4;
	_ =	sdelay $0x2  }
0x5b: {  	[tilespmem:s17+$0xFFFFFFD0] =	vst v2;
	s20 =	spop (v2sf)  }
0x5c: {  	v2 =	vld [tilespmem:s20+$0x0];
	_ =	sdelay $0x4  }
0x5d: {  	[tilespmem:s17+$0xFFFFFFE0] =	vst v2  }
0x5e: {  	v2 =	vld [tilespmem:s20+$0x10];
	_ =	sdelay $0x1  }
0x5f: {  	(v2sf) =	vpush v1, $0x5;
	_ =	sdelay $0x2  }
0x60: {  	[tilespmem:s17+$0xFFFFFFF0] =	vst v2;
	s20 =	spop (v2sf)  }
0x61: {  	v2 =	vld [tilespmem:s20+$0x0];
	_ =	sdelay $0x4  }
0x62: {  	[tilespmem:s17+$0x0] =	vst v2  }
0x63: {  	v2 =	vld [tilespmem:s20+$0x10];
	_ =	sdelay $0x1  }
0x64: {  	(v2sf) =	vpush v1, $0x6;
	_ =	sdelay $0x2  }
0x65: {  	[tilespmem:s17+$0x10] =	vst v2;
	s20 =	spop (v2sf)  }
0x66: {  	v2 =	vld [tilespmem:s20+$0x0];
	_ =	sdelay $0x4  }
0x67: {  	[tilespmem:s17+$0x20] =	vst v2  }
0x68: {  	v2 =	vld [tilespmem:s20+$0x10];
	_ =	sdelay $0x1  }
0x69: {  	(v2sf) =	vpush v1, $0x7;
	_ =	sdelay $0x2  }
0x6a: {  	[tilespmem:s17+$0x30] =	vst v2;
	s20 =	spop (v2sf)  }
0x6b: {  	v1 =	vld [tilespmem:s20+$0x0];
	_ =	sdelay $0x4  }
0x6c: {  	[tilespmem:s17+$0x40] =	vst v1  }
0x6d: {  	v1 =	vld [tilespmem:s20+$0x10];
	_ =	sdelay $0x4  }
0x6e: {  	[tilespmem:s17+$0x50] =	vst v1;
	s20 =	spop (v2sf)  }
0x6f: {  	v1 =	vld [tilespmem:s20+$0x0];
	_ =	sdelay $0x1  }
.Ltmp0:
0x70: {  	(pc) =	sbr.rel @p1 .LBB2_3-.Ltmp0, $3  }
0x71: {  	_ =	sdelay $0x1  }
0x72: {  	[tilespmem:s17+$0x60] =	vst v1  }
0x73: {  	v1 =	vld [tilespmem:s20+$0x10];
	s20 =	smov.u32 s19  }
0x74: {  	_ =	sdelay $0x3  }
0x75: {  	s18 =	sshra.s32 s18, $0x2;
	[tilespmem:s17+$0x70] =	vst v1  }
0x76: {  	v0 =	vld.idx.msk [tilespmem:v0+s18+$0x0 ss:$0x1], $0xffff;
	_ =	sdelay $0x4  }
0x77: {  	v0 =	vshll.u32 v0, $0x7  }
0x78: {  	v0 =	vshra.s32 v0, $0x2  }
0x79: {  	(v2sf) =	vpush v0, $0x0;
	_ =	sdelay $0xb  }
0x7a: {  	(v2sf) =	vpush v0, $0x1;
	_ =	sdelay $0x2  }
0x7b: {  	s24 =	spop (v2sf)  }
0x7c: {  	v1 =	vld [tilespmem:s24+$0x0];
	_ =	sdelay $0x3  }
0x7d: {  	s25 =	sadd.s32 $0x100, s17  }
0x7e: {  	[tilespmem:s25+$0xFFFFFF80] =	vst v1  }
0x7f: {  	v1 =	vld [tilespmem:s24+$0x10];
	_ =	sdelay $0x1  }
0x80: {  	(v2sf) =	vpush v0, $0x2;
	_ =	sdelay $0x2  }
0x81: {  	s26 =	spop (v2sf);
	[tilespmem:s25+$0xFFFFFF90] =	vst v1  }
0x82: {  	v1 =	vld [tilespmem:s26+$0x0];
	_ =	sdelay $0x4  }
0x83: {  	[tilespmem:s25+$0xFFFFFFA0] =	vst v1  }
0x84: {  	v1 =	vld [tilespmem:s26+$0x10];
	_ =	sdelay $0x1  }
0x85: {  	(v2sf) =	vpush v0, $0x3;
	_ =	sdelay $0x2  }
0x86: {  	s28 =	spop (v2sf);
	[tilespmem:s25+$0xFFFFFFB0] =	vst v1  }
0x87: {  	v1 =	vld [tilespmem:s28+$0x0];
	_ =	sdelay $0x4  }
0x88: {  	[tilespmem:s25+$0xFFFFFFC0] =	vst v1  }
0x89: {  	v1 =	vld [tilespmem:s28+$0x10];
	_ =	sdelay $0x1  }
0x8a: {  	(v2sf) =	vpush v0, $0x4;
	_ =	sdelay $0x2  }
0x8b: {  	s29 =	spop (v2sf);
	[tilespmem:s25+$0xFFFFFFD0] =	vst v1  }
0x8c: {  	v1 =	vld [tilespmem:s29+$0x0];
	_ =	sdelay $0x4  }
0x8d: {  	[tilespmem:s25+$0xFFFFFFE0] =	vst v1  }
0x8e: {  	v1 =	vld [tilespmem:s29+$0x10];
	_ =	sdelay $0x1  }
0x8f: {  	(v2sf) =	vpush v0, $0x5;
	_ =	sdelay $0x2  }
0x90: {  	s30 =	spop (v2sf);
	[tilespmem:s25+$0xFFFFFFF0] =	vst v1  }
0x91: {  	v1 =	vld [tilespmem:s30+$0x0];
	_ =	sdelay $0x4  }
0x92: {  	[tilespmem:s25+$0x0] =	vst v1  }
0x93: {  	v1 =	vld [tilespmem:s30+$0x10];
	_ =	sdelay $0x1  }
0x94: {  	(v2sf) =	vpush v0, $0x6;
	_ =	sdelay $0x2  }
0x95: {  	s31 =	spop (v2sf);
	[tilespmem:s25+$0x10] =	vst v1  }
0x96: {  	v1 =	vld [tilespmem:s31+$0x0];
	_ =	sdelay $0x4  }
0x97: {  	[tilespmem:s25+$0x20] =	vst v1  }
0x98: {  	v1 =	vld [tilespmem:s31+$0x10];
	_ =	sdelay $0x1  }
0x99: {  	(v2sf) =	vpush v0, $0x7;
	_ =	sdelay $0x2  }
0x9a: {  	s19 =	spop (v2sf);
	[tilespmem:s25+$0x30] =	vst v1  }
0x9b: {  	v0 =	vld [tilespmem:s19+$0x0];
	_ =	sdelay $0x4  }
0x9c: {  	[tilespmem:s25+$0x40] =	vst v0  }
0x9d: {  	v0 =	vld [tilespmem:s19+$0x10];
	_ =	sdelay $0x4  }
0x9e: {  	s20 =	spop (v2sf);
	[tilespmem:s25+$0x50] =	vst v0  }
0x9f: {  	v0 =	vld [tilespmem:s20+$0x0];
	_ =	sdelay $0x4  }
0xa0: {  	[tilespmem:s25+$0x60] =	vst v0  }
0xa1: {  	v0 =	vld [tilespmem:s20+$0x10]  }
0xa2: {  	s21 =	smul.u32 $0x310, s16;
	_ =	sdelay $0x1  }
0xa3: {  	s18 =	sadd.s32 s3, s21  }
0xa4: {  	s18 =	sshll.u32 s18, $0x2  }
0xa5: {  	s17 =	simm.s32 @!p0 $0x3;
	s22 =	sadd.s32 s5, s18;
	[tilespmem:s25+$0x70] =	vst v0;
	v0 =	vmov s15  }
0xa6: {  	[hbm4b:s22+s2] =	stream.linear.scatter [tilespmem:s9], [sflag:$0x2], $0x3100, $0x38;
	[tilespmem:$0xFA88] =	vst v63  }
0xa7: {  	_ =	swait.ge @!p0 [sflag:s17], $0x3100  }
0xa8: {  	[sflag:s17] =	ssyncset.done @!p0 $0x0  }
0xa9: {  	s23 =	simm.s32 $0x0;
	[sflag:s17] =	ssyncadd.s32 @!p0 $0xFFFFCF00  }
0xaa: {  	v1 =	vld.idx.msk [tilespmem:v0+s23+$0x0 ss:$0x1], $0xffff;
	_ =	sdelay $0x4  }
0xab: {  	v1 =	vshll.u32 v1, $0x7  }
0xac: {  	v1 =	vshra.s32 v1, $0x2  }
0xad: {  	(v2sf) =	vpush v1, $0x0;
	_ =	sdelay $0xb  }
0xae: {  	(v2sf) =	vpush v1, $0x1;
	_ =	sdelay $0x2  }
0xaf: {  	s24 =	spop (v2sf)  }
0xb0: {  	v2 =	vld [tilespmem:s24+$0x0];
	_ =	sdelay $0x3  }
0xb1: {  	s18 =	simm.s32 $0xCA78  }
0xb2: {  	[tilespmem:s18+$0xFFFFFF10] =	vst v2  }
0xb3: {  	v2 =	vld [tilespmem:s24+$0x10];
	_ =	sdelay $0x1  }
0xb4: {  	(v2sf) =	vpush v1, $0x2;
	_ =	sdelay $0x2  }
0xb5: {  	s25 =	spop (v2sf);
	[tilespmem:s18+$0xFFFFFF20] =	vst v2  }
0xb6: {  	v2 =	vld [tilespmem:s25+$0x0];
	_ =	sdelay $0x4  }
0xb7: {  	[tilespmem:s18+$0xFFFFFF30] =	vst v2  }
0xb8: {  	v2 =	vld [tilespmem:s25+$0x10];
	_ =	sdelay $0x1  }
0xb9: {  	(v2sf) =	vpush v1, $0x3;
	_ =	sdelay $0x2  }
0xba: {  	s26 =	spop (v2sf);
	[tilespmem:s18+$0xFFFFFF40] =	vst v2  }
0xbb: {  	v2 =	vld [tilespmem:s26+$0x0];
	_ =	sdelay $0x4  }
0xbc: {  	[tilespmem:s18+$0xFFFFFF50] =	vst v2  }
0xbd: {  	v2 =	vld [tilespmem:s26+$0x10];
	_ =	sdelay $0x1  }
0xbe: {  	(v2sf) =	vpush v1, $0x4;
	_ =	sdelay $0x2  }
0xbf: {  	s28 =	spop (v2sf);
	[tilespmem:s18+$0xFFFFFF60] =	vst v2  }
0xc0: {  	v2 =	vld [tilespmem:s28+$0x0];
	_ =	sdelay $0x4  }
0xc1: {  	[tilespmem:s18+$0xFFFFFF70] =	vst v2  }
0xc2: {  	v2 =	vld [tilespmem:s28+$0x10];
	_ =	sdelay $0x1  }
0xc3: {  	(v2sf) =	vpush v1, $0x5;
	_ =	sdelay $0x2  }
0xc4: {  	s29 =	spop (v2sf);
	[tilespmem:s18+$0xFFFFFF80] =	vst v2  }
0xc5: {  	v2 =	vld [tilespmem:s29+$0x0];
	_ =	sdelay $0x4  }
0xc6: {  	[tilespmem:s18+$0xFFFFFF90] =	vst v2  }
0xc7: {  	v2 =	vld [tilespmem:s29+$0x10];
	_ =	sdelay $0x1  }
0xc8: {  	(v2sf) =	vpush v1, $0x6;
	_ =	sdelay $0x2  }
0xc9: {  	s30 =	spop (v2sf);
	[tilespmem:s18+$0xFFFFFFA0] =	vst v2  }
0xca: {  	v2 =	vld [tilespmem:s30+$0x0];
	_ =	sdelay $0x4  }
0xcb: {  	[tilespmem:s18+$0xFFFFFFB0] =	vst v2  }
0xcc: {  	v2 =	vld [tilespmem:s30+$0x10];
	_ =	sdelay $0x1  }
0xcd: {  	(v2sf) =	vpush v1, $0x7;
	_ =	sdelay $0x2  }
0xce: {  	s31 =	spop (v2sf);
	[tilespmem:s18+$0xFFFFFFC0] =	vst v2  }
0xcf: {  	v1 =	vld [tilespmem:s31+$0x0];
	_ =	sdelay $0x4  }
0xd0: {  	[tilespmem:s18+$0xFFFFFFD0] =	vst v1  }
0xd1: {  	v1 =	vld [tilespmem:s31+$0x10];
	_ =	sdelay $0x4  }
0xd2: {  	s20 =	spop (v2sf);
	[tilespmem:s18+$0xFFFFFFE0] =	vst v1  }
0xd3: {  	v1 =	vld [tilespmem:s20+$0x0];
	_ =	sdelay $0x4  }
0xd4: {  	[tilespmem:s18+$0xFFFFFFF0] =	vst v1  }
0xd5: {  	s21 =	simm.s32 $0x40;
	s19 =	simm.s32 $0x20;
	s17 =	sshllo.u32 s16, $0x1;
	v1 =	vld [tilespmem:s20+$0x10]  }
.LBB2_5:
0xd6: {  	_ =	sdelay $0x2  }
0xd7: {  	s22 =	sshra.s32 s19, $0x2  }
0xd8: {  	s19 =	smov.u32 s21;
	s20 =	sadd.s32 $0x20, s21;
	[tilespmem:s18+$0x0] =	vst v1;
	s18 =	sadd.s32 $0x100, s18  }
0xd9: {  	p0 =	sne.s32 s21, $0x600;
	v1 =	vld.idx.msk [tilespmem:v0+s22+$0x0 ss:$0x1], $0xffff;
	_ =	sdelay $0x5  }
0xda: {  	v1 =	vshll.u32 v1, $0x7  }
0xdb: {  	v1 =	vshra.s32 v1, $0x2  }
0xdc: {  	(v2sf) =	vpush v1, $0x0;
	_ =	sdelay $0xb  }
0xdd: {  	(v2sf) =	vpush v1, $0x1;
	_ =	sdelay $0x2  }
0xde: {  	s21 =	spop (v2sf)  }
0xdf: {  	v2 =	vld [tilespmem:s21+$0x0];
	_ =	sdelay $0x4  }
0xe0: {  	[tilespmem:s18+$0xFFFFFF10] =	vst v2  }
0xe1: {  	v2 =	vld [tilespmem:s21+$0x10];
	_ =	sdelay $0x1  }
0xe2: {  	(v2sf) =	vpush v1, $0x2;
	_ =	sdelay $0x2  }
0xe3: {  	[tilespmem:s18+$0xFFFFFF20] =	vst v2;
	s21 =	spop (v2sf)  }
0xe4: {  	v2 =	vld [tilespmem:s21+$0x0];
	_ =	sdelay $0x4  }
0xe5: {  	[tilespmem:s18+$0xFFFFFF30] =	vst v2  }
0xe6: {  	v2 =	vld [tilespmem:s21+$0x10];
	_ =	sdelay $0x1  }
0xe7: {  	(v2sf) =	vpush v1, $0x3;
	_ =	sdelay $0x2  }
0xe8: {  	[tilespmem:s18+$0xFFFFFF40] =	vst v2;
	s21 =	spop (v2sf)  }
0xe9: {  	v2 =	vld [tilespmem:s21+$0x0];
	_ =	sdelay $0x4  }
0xea: {  	[tilespmem:s18+$0xFFFFFF50] =	vst v2  }
0xeb: {  	v2 =	vld [tilespmem:s21+$0x10];
	_ =	sdelay $0x1  }
0xec: {  	(v2sf) =	vpush v1, $0x4;
	_ =	sdelay $0x2  }
0xed: {  	[tilespmem:s18+$0xFFFFFF60] =	vst v2;
	s21 =	spop (v2sf)  }
0xee: {  	v2 =	vld [tilespmem:s21+$0x0];
	_ =	sdelay $0x4  }
0xef: {  	[tilespmem:s18+$0xFFFFFF70] =	vst v2  }
0xf0: {  	v2 =	vld [tilespmem:s21+$0x10];
	_ =	sdelay $0x1  }
0xf1: {  	(v2sf) =	vpush v1, $0x5;
	_ =	sdelay $0x2  }
0xf2: {  	[tilespmem:s18+$0xFFFFFF80] =	vst v2;
	s21 =	spop (v2sf)  }
0xf3: {  	v2 =	vld [tilespmem:s21+$0x0];
	_ =	sdelay $0x4  }
0xf4: {  	[tilespmem:s18+$0xFFFFFF90] =	vst v2  }
0xf5: {  	v2 =	vld [tilespmem:s21+$0x10];
	_ =	sdelay $0x1  }
0xf6: {  	(v2sf) =	vpush v1, $0x6;
	_ =	sdelay $0x2  }
0xf7: {  	[tilespmem:s18+$0xFFFFFFA0] =	vst v2;
	s21 =	spop (v2sf)  }
0xf8: {  	v2 =	vld [tilespmem:s21+$0x0];
	_ =	sdelay $0x4  }
0xf9: {  	[tilespmem:s18+$0xFFFFFFB0] =	vst v2  }
0xfa: {  	v2 =	vld [tilespmem:s21+$0x10];
	_ =	sdelay $0x1  }
0xfb: {  	(v2sf) =	vpush v1, $0x7;
	_ =	sdelay $0x2  }
0xfc: {  	[tilespmem:s18+$0xFFFFFFC0] =	vst v2;
	s21 =	spop (v2sf)  }
0xfd: {  	v1 =	vld [tilespmem:s21+$0x0];
	_ =	sdelay $0x4  }
0xfe: {  	[tilespmem:s18+$0xFFFFFFD0] =	vst v1  }
0xff: {  	v1 =	vld [tilespmem:s21+$0x10];
	_ =	sdelay $0x4  }
0x100: {  	[tilespmem:s18+$0xFFFFFFE0] =	vst v1;
	s21 =	spop (v2sf)  }
0x101: {  	v1 =	vld [tilespmem:s21+$0x0];
	_ =	sdelay $0x1  }
.Ltmp1:
0x102: {  	(pc) =	sbr.rel @p0 .LBB2_5-.Ltmp1, $3  }
0x103: {  	_ =	sdelay $0x1  }
0x104: {  	[tilespmem:s18+$0xFFFFFFF0] =	vst v1  }
0x105: {  	v1 =	vld [tilespmem:s21+$0x10];
	s21 =	smov.u32 s20  }
0x106: {  	_ =	sdelay $0x3  }
0x107: {  	s19 =	sshra.s32 s19, $0x2;
	[tilespmem:s18+$0x0] =	vst v1  }
0x108: {  	v0 =	vld.idx.msk [tilespmem:v0+s19+$0x0 ss:$0x1], $0xffff;
	_ =	sdelay $0x4  }
0x109: {  	v0 =	vshll.u32 v0, $0x7  }
0x10a: {  	v0 =	vshra.s32 v0, $0x2  }
0x10b: {  	(v2sf) =	vpush v0, $0x0;
	_ =	sdelay $0xb  }
0x10c: {  	(v2sf) =	vpush v0, $0x1;
	_ =	sdelay $0x2  }
0x10d: {  	s22 =	spop (v2sf)  }
0x10e: {  	v1 =	vld [tilespmem:s22+$0x0];
	_ =	sdelay $0x3  }
0x10f: {  	s23 =	sadd.s32 $0x100, s18  }
0x110: {  	[tilespmem:s23+$0xFFFFFF10] =	vst v1  }
0x111: {  	v1 =	vld [tilespmem:s22+$0x10];
	_ =	sdelay $0x1  }
0x112: {  	(v2sf) =	vpush v0, $0x2;
	_ =	sdelay $0x2  }
0x113: {  	s24 =	spop (v2sf);
	[tilespmem:s23+$0xFFFFFF20] =	vst v1  }
0x114: {  	v1 =	vld [tilespmem:s24+$0x0];
	_ =	sdelay $0x4  }
0x115: {  	[tilespmem:s23+$0xFFFFFF30] =	vst v1  }
0x116: {  	v1 =	vld [tilespmem:s24+$0x10];
	_ =	sdelay $0x1  }
0x117: {  	(v2sf) =	vpush v0, $0x3;
	_ =	sdelay $0x2  }
0x118: {  	s25 =	spop (v2sf);
	[tilespmem:s23+$0xFFFFFF40] =	vst v1  }
0x119: {  	v1 =	vld [tilespmem:s25+$0x0];
	_ =	sdelay $0x4  }
0x11a: {  	[tilespmem:s23+$0xFFFFFF50] =	vst v1  }
0x11b: {  	v1 =	vld [tilespmem:s25+$0x10];
	_ =	sdelay $0x1  }
0x11c: {  	(v2sf) =	vpush v0, $0x4;
	_ =	sdelay $0x2  }
0x11d: {  	s26 =	spop (v2sf);
	[tilespmem:s23+$0xFFFFFF60] =	vst v1  }
0x11e: {  	v1 =	vld [tilespmem:s26+$0x0];
	_ =	sdelay $0x4  }
0x11f: {  	[tilespmem:s23+$0xFFFFFF70] =	vst v1  }
0x120: {  	v1 =	vld [tilespmem:s26+$0x10];
	_ =	sdelay $0x1  }
0x121: {  	(v2sf) =	vpush v0, $0x5;
	_ =	sdelay $0x2  }
0x122: {  	s28 =	spop (v2sf);
	[tilespmem:s23+$0xFFFFFF80] =	vst v1  }
0x123: {  	v1 =	vld [tilespmem:s28+$0x0];
	_ =	sdelay $0x4  }
0x124: {  	[tilespmem:s23+$0xFFFFFF90] =	vst v1  }
0x125: {  	v1 =	vld [tilespmem:s28+$0x10];
	_ =	sdelay $0x1  }
0x126: {  	(v2sf) =	vpush v0, $0x6;
	_ =	sdelay $0x2  }
0x127: {  	s29 =	spop (v2sf);
	[tilespmem:s23+$0xFFFFFFA0] =	vst v1  }
0x128: {  	v1 =	vld [tilespmem:s29+$0x0];
	_ =	sdelay $0x4  }
0x129: {  	[tilespmem:s23+$0xFFFFFFB0] =	vst v1  }
0x12a: {  	v1 =	vld [tilespmem:s29+$0x10];
	_ =	sdelay $0x1  }
0x12b: {  	(v2sf) =	vpush v0, $0x7;
	_ =	sdelay $0x2  }
0x12c: {  	s30 =	spop (v2sf);
	[tilespmem:s23+$0xFFFFFFC0] =	vst v1  }
0x12d: {  	v63 =	vld [tilespmem:s30+$0x0];
	_ =	sdelay $0x4  }
0x12e: {  	[tilespmem:s23+$0xFFFFFFD0] =	vst v63  }
0x12f: {  	v0 =	vld [tilespmem:s30+$0x10];
	_ =	sdelay $0x4  }
0x130: {  	s31 =	spop (v2sf);
	[tilespmem:s23+$0xFFFFFFE0] =	vst v0  }
0x131: {  	v0 =	vld [tilespmem:s31+$0x0];
	_ =	sdelay $0x4  }
0x132: {  	[tilespmem:s23+$0xFFFFFFF0] =	vst v0  }
0x133: {  	s17 =	smul.u32 $0x188, s17;
	s16 =	sadd.s32 $0x1, s16;
	v0 =	vld [tilespmem:s31+$0x10]  }
0x134: {  	p0 =	sne.s32 s16, $0x8  }
.Ltmp2:
0x135: {  	s17 =	sadd.s32 s3, s17;
	(pc) =	sbr.rel @p0 .LBB2_2-.Ltmp2, $4  }
0x136: {  	s17 =	sshll.u32 s17, $0x2  }
0x137: {  	s17 =	sand.u32 $0xFFFFFE0, s17  }
0x138: {  	s14 =	sadd.s32 $0x310, s14;
	s15 =	sadd.s32 $0x310, s15;
	s17 =	sadd.s32 s5, s17;
	[tilespmem:s23+$0x0] =	vst v0  }
0x139: {  	[hbm4b:s17+s2] =	stream.linear.scatter [tilespmem:s10], [sflag:$0x3], $0x3100, $0x38;
	[tilespmem:$0xFA88] =	vst v63  }
0x13a: {  	s13 =	sadd.s32 $0x1, s13  }
0x13b: {  	_ =	swait.ge [sflag:s11], $0x3100;
	p0 =	sne.s32 s13, s7  }
.Ltmp3:
0x13c: {  	[sflag:s11] =	ssyncset.done $0x0;
	(pc) =	sbr.rel @p0 .LBB2_1-.Ltmp3, $4  }
0x13d: {  	[sflag:s11] =	ssyncadd.s32 $0xFFFFCF00  }
0x13e: {  	_ =	swait.ge [sflag:s12], $0x3100  }
0x13f: {  	[sflag:s12] =	ssyncset.done $0x0  }
0x140: {  	[sflag:s12] =	ssyncadd.s32 $0xFFFFCF00  }
0x141: {  	_ =	sfence.sel $0x180000  }
0x142: {  	[bflag:$0x0] =	sbarrier.arrive $0xFFFF  }
0x143: {  	p0 =	sne.s32 s0, $0x0;
	_ =	strace $0x90000047  }
0x144: {  	s0 =	sadd.s32 @!p0 $0x100000, s1;
	[bflag:$0x2] =	sbarrier.arrive $0xFFFF  }
0x145: {  	[sflag:s0] =	ssyncadd.tile.s32 @!p0 $0x1;
	_ =	shalt  }
.Lfunc_end2:
_tile_overlayer_lowered:
.L_overlay_start_2:
0x146: {  	(tag) =	ssettag $0x2  }
0x147: {  	s0 =	rddreg [dreg:$0x0];
	s2 =	stileid.u32  }
0x148: {  	s1 =	rddreg [dreg:$0x1];
	p0 =	sne.s32 s2, $0x0  }
0x149: {  	s3 =	rddreg [dreg:$0x2];
	[bflag:$0x3] =	sbarrier.arrive $0xFFFF;
	s2 =	simm.s32 @!p0 $0x1C04  }
0x14a: {  	[timem:s3], [sflag:s2] =	dma.local @!p0 [hbm:s0], s1  }
0x14b: {  	s0 =	simm.s32 @!p0 $0x4  }
0x14c: {  	_ =	swait.ge @!p0 [sflag:s0], s1  }
0x14d: {  	s1 =	ssub.s32 @!p0 $0x0, s1;
	[sflag:s0] =	ssyncset.done @!p0 $0x0  }
0x14e: {  	[sflag:s0] =	ssyncadd.s32 @!p0 s1  }
0x14f: {  	[bflag:$0x3] =	sbarrier.arrive $0xFFFF  }
0x150: {  	_ =	shalt  }

</sc_bundles>
